<compile_context>
chip_gen: v7x
topology: tpu7x:2x2x1
jax: 0.10.2.dev20260603
libtpu: 0.0.44.dev20260713+nightly
codegen_flags: <defaults>
</compile_context>

<pallas_src>
import jax
import jax.numpy as jnp
from jax import lax
from jax.experimental import pallas as pl
from jax.experimental.pallas import tpu as pltpu
from jax.experimental.pallas import tpu_sc as plsc

B = 4096
L = 50
D = 64
NCLS = 6
V = 1000000
C8 = 8

NC = 2
NS = 16
NW = NC * NS
B_PER_W = B // NW
CHUNK = 128
NCHUNK = (B_PER_W * L) // CHUNK
ROWS_PER_SC = B // NC

BN = 32768


def _tw_body(wp_ref, tt_ref, *plane_refs):
    res = lax.dot_general(
        wp_ref[...].astype(jnp.bfloat16), tt_ref[...].astype(jnp.bfloat16),
        dimension_numbers=(((1,), (0,)), ((), ())),
        preferred_element_type=jnp.float32,
    ) * (1.0 / L)
    for p in range(NP):
        lo = lax.bitcast_convert_type(
            res[2 * p, :].astype(jnp.bfloat16), jnp.uint16).astype(jnp.uint32)
        hi = lax.bitcast_convert_type(
            res[2 * p + 1, :].astype(jnp.bfloat16), jnp.uint16).astype(jnp.uint32)
        plane_refs[p][...] = lax.bitcast_convert_type(
            (hi << 16) | lo, jnp.float32)


def _tw_planes(wp, table_t):
    return pl.pallas_call(
        _tw_body,
        grid=(pl.cdiv(V, BN),),
        in_specs=[
            pl.BlockSpec((C8, D), lambda i: (0, 0)),
            pl.BlockSpec((D, BN), lambda i: (0, i)),
        ],
        out_specs=[pl.BlockSpec((BN,), lambda i: (i,))] * NP,
        out_shape=[jax.ShapeDtypeStruct((V,), jnp.float32)] * NP,
    )(wp, table_t)


NP = NCLS // 2
NBUF = 8
LANES = 16
VPC = CHUNK // LANES


def _sc_pool_body(x_hbm, pat_hbm, binit_hbm,
                  p0, p1, p2,
                  out_hbm, idxs, pat, rows, acc, gsem):
    planes = (p0, p1, p2)
    c = lax.axis_index("c")
    s = lax.axis_index("s")
    wid = c * NS + s

    pltpu.sync_copy(x_hbm.at[wid], idxs)
    pltpu.sync_copy(pat_hbm, pat)
    pltpu.sync_copy(binit_hbm, acc)

    def _gather(g, buf):
        for k in range(NP):
            pltpu.async_copy(planes[k].at[idxs.at[g]],
                             rows.at[pl.ds((buf * NP + k) * CHUNK, CHUNK)],
                             gsem)

    def _wait(g, buf):
        for k in range(NP):
            pltpu.make_async_copy(
                planes[k].at[idxs.at[g]],
                rows.at[pl.ds((buf * NP + k) * CHUNK, CHUNK)],
                gsem).wait()

    for g in range(NBUF):
        _gather(g, g)

    def body(g, _):
        buf = lax.rem(g, NBUF)
        _wait(g, buf)
        for k in range(NP):
            for j in range(VPC):
                val = rows[pl.ds((buf * NP + k) * CHUNK + j * LANES,
                                 LANES)]
                u = lax.bitcast_convert_type(val, jnp.uint32)
                lo = lax.bitcast_convert_type(u << 16, jnp.float32)
                hi = lax.bitcast_convert_type(
                    u & jnp.uint32(0xFFFF0000), jnp.float32)
                plsc.addupdate_scatter(
                    acc, [pat[(2 * k) * VPC + j, :]], lo)
                plsc.addupdate_scatter(
                    acc, [pat[(2 * k + 1) * VPC + j, :]], hi)
        nxt = g + NBUF

        @pl.when(nxt < NCHUNK)
        def _():
            _gather(nxt, buf)
        return _

    lax.fori_loop(0, NCHUNK, body, None)

    pltpu.sync_copy(acc, out_hbm.at[pl.ds(wid * B_PER_W * C8,
                                          B_PER_W * C8)])


def _sc_pool(x_chunks, pat, binit, planes):
    mesh = plsc.VectorSubcoreMesh(core_axis_name="c", subcore_axis_name="s")
    kern = pl.kernel(
        _sc_pool_body,
        out_type=jax.ShapeDtypeStruct((B * C8,), jnp.float32),
        mesh=mesh,
        scratch_types=[
            pltpu.VMEM((NCHUNK, CHUNK), jnp.int32),
            pltpu.VMEM((NCLS * VPC, LANES), jnp.int32),
            pltpu.VMEM((NBUF * NP * CHUNK,), jnp.float32),
            pltpu.VMEM((B_PER_W * C8,), jnp.float32),
            pltpu.SemaphoreType.DMA,
        ],
        compiler_params=pltpu.CompilerParams(use_tc_tiling_on_sc=False,
                                             needs_layout_passes=False),
    )
    return kern(x_chunks, pat, binit, *planes)


def kernel(x, table, W, b):
    table_t = table.T
    wp = jnp.zeros((C8, D), jnp.float32).at[:NCLS].set(W)
    planes = _tw_planes(wp, table_t)

    x_chunks = x.astype(jnp.int32).reshape(NW, B_PER_W, L).transpose(0, 2, 1)
    pat = (jnp.arange(NCLS * VPC, dtype=jnp.int32)[:, None] % VPC * (LANES * C8)
           + jnp.arange(LANES, dtype=jnp.int32)[None, :] * C8
           + jnp.arange(NCLS * VPC, dtype=jnp.int32)[:, None] // VPC)
    binit = jnp.broadcast_to(
        jnp.concatenate([b, jnp.zeros((C8 - NCLS,), jnp.float32)]),
        (B_PER_W, C8)).reshape(B_PER_W * C8)
    raw = _sc_pool(x_chunks, pat, binit, planes)
    return raw.reshape(B, C8)[:, :NCLS]

# --- scband reference (transcript-rebuilt; emitter-appended) ---
"""Pipeline reference for scband-torch-model-44109314130092 (READ-ONLY COPY).

The authoritative reference and input builder live on the scoring server;
editing this copy changes nothing except your own understanding.
"""

import jax, jax.numpy as jnp
import numpy as np

VOCAB = 1000000
DIM = 64
SEQ = 50
BATCH = 4096
NCLS = 6

def setup_inputs(seed: int = 0) -> dict:
    key = jax.random.key(seed)
    k1, k2, k3, k4 = jax.random.split(key, 4)
    x = jax.random.randint(k1, (BATCH, SEQ), 0, VOCAB, dtype=jnp.int64 if jax.config.jax_enable_x64 else jnp.int32)
    table = jax.random.normal(k2, (VOCAB, DIM), dtype=jnp.float32)
    W = jax.random.normal(k3, (NCLS, DIM), dtype=jnp.float32) * (1.0 / np.sqrt(DIM))
    b = jax.random.normal(k4, (NCLS,), dtype=jnp.float32) * 0.01
    return {"x": x, "table": table, "W": W, "b": b}

def reference(x, table, W, b):
    # embedding lookup: [B, L] -> [B, L, D]
    emb = jnp.take(table, x, axis=0)
    # transpose(1,2) -> [B, D, L]; AvgPool1d(L) -> [B, D, 1]; squeeze -> [B, D]
    pooled = jnp.mean(emb, axis=1)
    # linear classify: [B, D] -> [B, 6]
    out = pooled @ W.T + b
    return out

if __name__ == "__main__":
    import jax
    _d = setup_inputs()
    print(jax.jit(kernel)(*tuple(_d.values())))

</pallas_src>

<mosaic_0001>
#map = affine_map<(d0, d1) -> (0, 0, 0)>
#map1 = affine_map<(d0, d1) -> (0, 0)>
#map2 = affine_map<(d0, d1) -> (0)>
module attributes {stable_mosaic.version = 14 : i64} {
  func.func @_sc_pool_body(%arg0: i32, %arg1: i32, %arg2: memref<32x50x128xi32, #tpu.memory_space<hbm>>, %arg3: memref<48x16xi32, #tpu.memory_space<hbm>>, %arg4: memref<1024xf32, #tpu.memory_space<hbm>>, %arg5: memref<1000000xf32, #tpu.memory_space<hbm>>, %arg6: memref<1000000xf32, #tpu.memory_space<hbm>>, %arg7: memref<1000000xf32, #tpu.memory_space<hbm>>, %arg8: memref<32768xf32, #tpu.memory_space<hbm>>, %arg9: memref<50x128xi32, #tpu.memory_space<vmem>>, %arg10: memref<48x16xi32, #tpu.memory_space<vmem>>, %arg11: memref<3072xf32, #tpu.memory_space<vmem>>, %arg12: memref<1024xf32, #tpu.memory_space<vmem>>, %arg13: memref<!tpu.dma_semaphore, #tpu.memory_space<semaphore_mem>>) attributes {dimension_semantics = [#tpu.dimension_semantics<core_parallel>, #tpu.dimension_semantics<subcore_parallel>], iteration_bounds = array<i64: 2, 16>, scalar_prefetch = 0 : i64, scratch_operands = 5 : i64, tpu.core_type = #tpu.core_type<sc_vector_subcore>, window_params = [{transform_indices = #map}, {transform_indices = #map1}, {transform_indices = #map2}, {transform_indices = #map2}, {transform_indices = #map2}, {transform_indices = #map2}, {transform_indices = #map2}]} {
    %mul3A = arith.constant 16 : i32
    %mul3A_0 = arith.muli %arg0, %mul3A : i32
    %add3A = arith.addi %mul3A_0, %arg1 : i32
    "tpu.region"() ({
      %run_scoped3A = tpu.sem_alloc : memref<!tpu.dma_semaphore, #tpu.memory_space<semaphore_mem>>
      %dma_start3A_200 = arith.constant 0 : i32
      %dma_start3A_201 = arith.constant 0 : i32
      %dma_start3A_202 = tpu.memref_slice %arg2[%add3A, %dma_start3A_200, %dma_start3A_201] : memref<32x50x128xi32, #tpu.memory_space<hbm>> -> memref<1x50x128xi32, #tpu.memory_space<hbm>>
      %dma_start3A_203 = tpu.memref_squeeze %dma_start3A_202 : memref<1x50x128xi32, #tpu.memory_space<hbm>> -> memref<50x128xi32, #tpu.memory_space<hbm>>
      %dma_start3A_204 = arith.constant 0 : i32
      %dma_start3A_205 = arith.constant 0 : i32
      %dma_start3A_206 = tpu.memref_slice %arg2[%add3A, %dma_start3A_204, %dma_start3A_205] : memref<32x50x128xi32, #tpu.memory_space<hbm>> -> memref<1x50x128xi32, #tpu.memory_space<hbm>>
      %dma_start3A_207 = tpu.memref_squeeze %dma_start3A_206 : memref<1x50x128xi32, #tpu.memory_space<hbm>> -> memref<50x128xi32, #tpu.memory_space<hbm>>
      tpu.enqueue_dma source(%dma_start3A_207 : memref<50x128xi32, #tpu.memory_space<hbm>>) target(%arg9 : memref<50x128xi32, #tpu.memory_space<vmem>>) target_semaphore(%run_scoped3A : memref<!tpu.dma_semaphore, #tpu.memory_space<semaphore_mem>>)
      %dma_wait3A = arith.constant 0 : i32
      %dma_wait3A_208 = arith.constant 0 : i32
      %dma_wait3A_209 = tpu.memref_slice %arg2[%add3A, %dma_wait3A, %dma_wait3A_208] : memref<32x50x128xi32, #tpu.memory_space<hbm>> -> memref<1x50x128xi32, #tpu.memory_space<hbm>>
      %dma_wait3A_210 = tpu.memref_squeeze %dma_wait3A_209 : memref<1x50x128xi32, #tpu.memory_space<hbm>> -> memref<50x128xi32, #tpu.memory_space<hbm>>
      %dma_wait3A_211 = arith.constant 0 : i32
      %dma_wait3A_212 = arith.constant 0 : i32
      %dma_wait3A_213 = tpu.memref_slice %arg2[%add3A, %dma_wait3A_211, %dma_wait3A_212] : memref<32x50x128xi32, #tpu.memory_space<hbm>> -> memref<1x50x128xi32, #tpu.memory_space<hbm>>
      %dma_wait3A_214 = tpu.memref_squeeze %dma_wait3A_213 : memref<1x50x128xi32, #tpu.memory_space<hbm>> -> memref<50x128xi32, #tpu.memory_space<hbm>>
      tpu.wait_dma2 semaphore(%run_scoped3A : memref<!tpu.dma_semaphore, #tpu.memory_space<semaphore_mem>>) src(%dma_wait3A_214 : memref<50x128xi32, #tpu.memory_space<hbm>>) dst(%arg9 : memref<50x128xi32, #tpu.memory_space<vmem>>)
      tpu.yield
    }) : () -> ()
    "tpu.region"() ({
      %run_scoped3A = tpu.sem_alloc : memref<!tpu.dma_semaphore, #tpu.memory_space<semaphore_mem>>
      tpu.enqueue_dma source(%arg3 : memref<48x16xi32, #tpu.memory_space<hbm>>) target(%arg10 : memref<48x16xi32, #tpu.memory_space<vmem>>) target_semaphore(%run_scoped3A : memref<!tpu.dma_semaphore, #tpu.memory_space<semaphore_mem>>)
      tpu.wait_dma2 semaphore(%run_scoped3A : memref<!tpu.dma_semaphore, #tpu.memory_space<semaphore_mem>>) src(%arg3 : memref<48x16xi32, #tpu.memory_space<hbm>>) dst(%arg10 : memref<48x16xi32, #tpu.memory_space<vmem>>)
      tpu.yield
    }) : () -> ()
    "tpu.region"() ({
      %run_scoped3A = tpu.sem_alloc : memref<!tpu.dma_semaphore, #tpu.memory_space<semaphore_mem>>
      tpu.enqueue_dma source(%arg4 : memref<1024xf32, #tpu.memory_space<hbm>>) target(%arg12 : memref<1024xf32, #tpu.memory_space<vmem>>) target_semaphore(%run_scoped3A : memref<!tpu.dma_semaphore, #tpu.memory_space<semaphore_mem>>)
      tpu.wait_dma2 semaphore(%run_scoped3A : memref<!tpu.dma_semaphore, #tpu.memory_space<semaphore_mem>>) src(%arg4 : memref<1024xf32, #tpu.memory_space<hbm>>) dst(%arg12 : memref<1024xf32, #tpu.memory_space<vmem>>)
      tpu.yield
    }) : () -> ()
    %dma_start3A = arith.constant 0 : i32
    %dma_start3A_1 = arith.constant 0 : i32
    %dma_start3A_2 = tpu.memref_slice %arg11[%dma_start3A_1] : memref<3072xf32, #tpu.memory_space<vmem>> -> memref<128xf32, #tpu.memory_space<vmem>>
    %dma_start3A_3 = arith.constant 0 : i32
    %dma_start3A_4 = tpu.memref_slice %arg9[%dma_start3A, %dma_start3A_3] : memref<50x128xi32, #tpu.memory_space<vmem>> -> memref<1x128xi32, #tpu.memory_space<vmem>>
    %dma_start3A_5 = tpu.memref_squeeze %dma_start3A_4 : memref<1x128xi32, #tpu.memory_space<vmem>> -> memref<128xi32, #tpu.memory_space<vmem>>
    %dma_start3A_6 = arith.constant 0 : i32
    %dma_start3A_7 = tpu.memref_slice %arg5[%dma_start3A_6] : memref<1000000xf32, #tpu.memory_space<hbm>> -> memref<1000000xf32, #tpu.memory_space<hbm>>
    tpu.enqueue_indirect_dma source(%dma_start3A_7 : memref<1000000xf32, #tpu.memory_space<hbm>>) target(%dma_start3A_2 : memref<128xf32, #tpu.memory_space<vmem>>) offsets(%dma_start3A_5 : memref<128xi32, #tpu.memory_space<vmem>>) semaphore(%arg13 : memref<!tpu.dma_semaphore, #tpu.memory_space<semaphore_mem>>)
    %dma_start3A_8 = arith.constant 0 : i32
    %dma_start3A_9 = arith.constant 128 : i32
    %dma_start3A_10 = tpu.memref_slice %arg11[%dma_start3A_9] : memref<3072xf32, #tpu.memory_space<vmem>> -> memref<128xf32, #tpu.memory_space<vmem>>
    %dma_start3A_11 = arith.constant 0 : i32
    %dma_start3A_12 = tpu.memref_slice %arg9[%dma_start3A_8, %dma_start3A_11] : memref<50x128xi32, #tpu.memory_space<vmem>> -> memref<1x128xi32, #tpu.memory_space<vmem>>
    %dma_start3A_13 = tpu.memref_squeeze %dma_start3A_12 : memref<1x128xi32, #tpu.memory_space<vmem>> -> memref<128xi32, #tpu.memory_space<vmem>>
    %dma_start3A_14 = arith.constant 0 : i32
    %dma_start3A_15 = tpu.memref_slice %arg6[%dma_start3A_14] : memref<1000000xf32, #tpu.memory_space<hbm>> -> memref<1000000xf32, #tpu.memory_space<hbm>>
    tpu.enqueue_indirect_dma source(%dma_start3A_15 : memref<1000000xf32, #tpu.memory_space<hbm>>) target(%dma_start3A_10 : memref<128xf32, #tpu.memory_space<vmem>>) offsets(%dma_start3A_13 : memref<128xi32, #tpu.memory_space<vmem>>) semaphore(%arg13 : memref<!tpu.dma_semaphore, #tpu.memory_space<semaphore_mem>>)
    %dma_start3A_16 = arith.constant 0 : i32
    %dma_start3A_17 = arith.constant 256 : i32
    %dma_start3A_18 = tpu.memref_slice %arg11[%dma_start3A_17] : memref<3072xf32, #tpu.memory_space<vmem>> -> memref<128xf32, #tpu.memory_space<vmem>>
    %dma_start3A_19 = arith.constant 0 : i32
    %dma_start3A_20 = tpu.memref_slice %arg9[%dma_start3A_16, %dma_start3A_19] : memref<50x128xi32, #tpu.memory_space<vmem>> -> memref<1x128xi32, #tpu.memory_space<vmem>>
    %dma_start3A_21 = tpu.memref_squeeze %dma_start3A_20 : memref<1x128xi32, #tpu.memory_space<vmem>> -> memref<128xi32, #tpu.memory_space<vmem>>
    %dma_start3A_22 = arith.constant 0 : i32
    %dma_start3A_23 = tpu.memref_slice %arg7[%dma_start3A_22] : memref<1000000xf32, #tpu.memory_space<hbm>> -> memref<1000000xf32, #tpu.memory_space<hbm>>
    tpu.enqueue_indirect_dma source(%dma_start3A_23 : memref<1000000xf32, #tpu.memory_space<hbm>>) target(%dma_start3A_18 : memref<128xf32, #tpu.memory_space<vmem>>) offsets(%dma_start3A_21 : memref<128xi32, #tpu.memory_space<vmem>>) semaphore(%arg13 : memref<!tpu.dma_semaphore, #tpu.memory_space<semaphore_mem>>)
    %dma_start3A_24 = arith.constant 1 : i32
    %dma_start3A_25 = arith.constant 384 : i32
    %dma_start3A_26 = tpu.memref_slice %arg11[%dma_start3A_25] : memref<3072xf32, #tpu.memory_space<vmem>> -> memref<128xf32, #tpu.memory_space<vmem>>
    %dma_start3A_27 = arith.constant 0 : i32
    %dma_start3A_28 = tpu.memref_slice %arg9[%dma_start3A_24, %dma_start3A_27] : memref<50x128xi32, #tpu.memory_space<vmem>> -> memref<1x128xi32, #tpu.memory_space<vmem>>
    %dma_start3A_29 = tpu.memref_squeeze %dma_start3A_28 : memref<1x128xi32, #tpu.memory_space<vmem>> -> memref<128xi32, #tpu.memory_space<vmem>>
    %dma_start3A_30 = arith.constant 0 : i32
    %dma_start3A_31 = tpu.memref_slice %arg5[%dma_start3A_30] : memref<1000000xf32, #tpu.memory_space<hbm>> -> memref<1000000xf32, #tpu.memory_space<hbm>>
    tpu.enqueue_indirect_dma source(%dma_start3A_31 : memref<1000000xf32, #tpu.memory_space<hbm>>) target(%dma_start3A_26 : memref<128xf32, #tpu.memory_space<vmem>>) offsets(%dma_start3A_29 : memref<128xi32, #tpu.memory_space<vmem>>) semaphore(%arg13 : memref<!tpu.dma_semaphore, #tpu.memory_space<semaphore_mem>>)
    %dma_start3A_32 = arith.constant 1 : i32
    %dma_start3A_33 = arith.constant 512 : i32
    %dma_start3A_34 = tpu.memref_slice %arg11[%dma_start3A_33] : memref<3072xf32, #tpu.memory_space<vmem>> -> memref<128xf32, #tpu.memory_space<vmem>>
    %dma_start3A_35 = arith.constant 0 : i32
    %dma_start3A_36 = tpu.memref_slice %arg9[%dma_start3A_32, %dma_start3A_35] : memref<50x128xi32, #tpu.memory_space<vmem>> -> memref<1x128xi32, #tpu.memory_space<vmem>>
    %dma_start3A_37 = tpu.memref_squeeze %dma_start3A_36 : memref<1x128xi32, #tpu.memory_space<vmem>> -> memref<128xi32, #tpu.memory_space<vmem>>
    %dma_start3A_38 = arith.constant 0 : i32
    %dma_start3A_39 = tpu.memref_slice %arg6[%dma_start3A_38] : memref<1000000xf32, #tpu.memory_space<hbm>> -> memref<1000000xf32, #tpu.memory_space<hbm>>
    tpu.enqueue_indirect_dma source(%dma_start3A_39 : memref<1000000xf32, #tpu.memory_space<hbm>>) target(%dma_start3A_34 : memref<128xf32, #tpu.memory_space<vmem>>) offsets(%dma_start3A_37 : memref<128xi32, #tpu.memory_space<vmem>>) semaphore(%arg13 : memref<!tpu.dma_semaphore, #tpu.memory_space<semaphore_mem>>)
    %dma_start3A_40 = arith.constant 1 : i32
    %dma_start3A_41 = arith.constant 640 : i32
    %dma_start3A_42 = tpu.memref_slice %arg11[%dma_start3A_41] : memref<3072xf32, #tpu.memory_space<vmem>> -> memref<128xf32, #tpu.memory_space<vmem>>
    %dma_start3A_43 = arith.constant 0 : i32
    %dma_start3A_44 = tpu.memref_slice %arg9[%dma_start3A_40, %dma_start3A_43] : memref<50x128xi32, #tpu.memory_space<vmem>> -> memref<1x128xi32, #tpu.memory_space<vmem>>
    %dma_start3A_45 = tpu.memref_squeeze %dma_start3A_44 : memref<1x128xi32, #tpu.memory_space<vmem>> -> memref<128xi32, #tpu.memory_space<vmem>>
    %dma_start3A_46 = arith.constant 0 : i32
    %dma_start3A_47 = tpu.memref_slice %arg7[%dma_start3A_46] : memref<1000000xf32, #tpu.memory_space<hbm>> -> memref<1000000xf32, #tpu.memory_space<hbm>>
    tpu.enqueue_indirect_dma source(%dma_start3A_47 : memref<1000000xf32, #tpu.memory_space<hbm>>) target(%dma_start3A_42 : memref<128xf32, #tpu.memory_space<vmem>>) offsets(%dma_start3A_45 : memref<128xi32, #tpu.memory_space<vmem>>) semaphore(%arg13 : memref<!tpu.dma_semaphore, #tpu.memory_space<semaphore_mem>>)
    %dma_start3A_48 = arith.constant 2 : i32
    %dma_start3A_49 = arith.constant 768 : i32
    %dma_start3A_50 = tpu.memref_slice %arg11[%dma_start3A_49] : memref<3072xf32, #tpu.memory_space<vmem>> -> memref<128xf32, #tpu.memory_space<vmem>>
    %dma_start3A_51 = arith.constant 0 : i32
    %dma_start3A_52 = tpu.memref_slice %arg9[%dma_start3A_48, %dma_start3A_51] : memref<50x128xi32, #tpu.memory_space<vmem>> -> memref<1x128xi32, #tpu.memory_space<vmem>>
    %dma_start3A_53 = tpu.memref_squeeze %dma_start3A_52 : memref<1x128xi32, #tpu.memory_space<vmem>> -> memref<128xi32, #tpu.memory_space<vmem>>
    %dma_start3A_54 = arith.constant 0 : i32
    %dma_start3A_55 = tpu.memref_slice %arg5[%dma_start3A_54] : memref<1000000xf32, #tpu.memory_space<hbm>> -> memref<1000000xf32, #tpu.memory_space<hbm>>
    tpu.enqueue_indirect_dma source(%dma_start3A_55 : memref<1000000xf32, #tpu.memory_space<hbm>>) target(%dma_start3A_50 : memref<128xf32, #tpu.memory_space<vmem>>) offsets(%dma_start3A_53 : memref<128xi32, #tpu.memory_space<vmem>>) semaphore(%arg13 : memref<!tpu.dma_semaphore, #tpu.memory_space<semaphore_mem>>)
    %dma_start3A_56 = arith.constant 2 : i32
    %dma_start3A_57 = arith.constant 896 : i32
    %dma_start3A_58 = tpu.memref_slice %arg11[%dma_start3A_57] : memref<3072xf32, #tpu.memory_space<vmem>> -> memref<128xf32, #tpu.memory_space<vmem>>
    %dma_start3A_59 = arith.constant 0 : i32
    %dma_start3A_60 = tpu.memref_slice %arg9[%dma_start3A_56, %dma_start3A_59] : memref<50x128xi32, #tpu.memory_space<vmem>> -> memref<1x128xi32, #tpu.memory_space<vmem>>
    %dma_start3A_61 = tpu.memref_squeeze %dma_start3A_60 : memref<1x128xi32, #tpu.memory_space<vmem>> -> memref<128xi32, #tpu.memory_space<vmem>>
    %dma_start3A_62 = arith.constant 0 : i32
    %dma_start3A_63 = tpu.memref_slice %arg6[%dma_start3A_62] : memref<1000000xf32, #tpu.memory_space<hbm>> -> memref<1000000xf32, #tpu.memory_space<hbm>>
    tpu.enqueue_indirect_dma source(%dma_start3A_63 : memref<1000000xf32, #tpu.memory_space<hbm>>) target(%dma_start3A_58 : memref<128xf32, #tpu.memory_space<vmem>>) offsets(%dma_start3A_61 : memref<128xi32, #tpu.memory_space<vmem>>) semaphore(%arg13 : memref<!tpu.dma_semaphore, #tpu.memory_space<semaphore_mem>>)
    %dma_start3A_64 = arith.constant 2 : i32
    %dma_start3A_65 = arith.constant 1024 : i32
    %dma_start3A_66 = tpu.memref_slice %arg11[%dma_start3A_65] : memref<3072xf32, #tpu.memory_space<vmem>> -> memref<128xf32, #tpu.memory_space<vmem>>
    %dma_start3A_67 = arith.constant 0 : i32
    %dma_start3A_68 = tpu.memref_slice %arg9[%dma_start3A_64, %dma_start3A_67] : memref<50x128xi32, #tpu.memory_space<vmem>> -> memref<1x128xi32, #tpu.memory_space<vmem>>
    %dma_start3A_69 = tpu.memref_squeeze %dma_start3A_68 : memref<1x128xi32, #tpu.memory_space<vmem>> -> memref<128xi32, #tpu.memory_space<vmem>>
    %dma_start3A_70 = arith.constant 0 : i32
    %dma_start3A_71 = tpu.memref_slice %arg7[%dma_start3A_70] : memref<1000000xf32, #tpu.memory_space<hbm>> -> memref<1000000xf32, #tpu.memory_space<hbm>>
    tpu.enqueue_indirect_dma source(%dma_start3A_71 : memref<1000000xf32, #tpu.memory_space<hbm>>) target(%dma_start3A_66 : memref<128xf32, #tpu.memory_space<vmem>>) offsets(%dma_start3A_69 : memref<128xi32, #tpu.memory_space<vmem>>) semaphore(%arg13 : memref<!tpu.dma_semaphore, #tpu.memory_space<semaphore_mem>>)
    %dma_start3A_72 = arith.constant 3 : i32
    %dma_start3A_73 = arith.constant 1152 : i32
    %dma_start3A_74 = tpu.memref_slice %arg11[%dma_start3A_73] : memref<3072xf32, #tpu.memory_space<vmem>> -> memref<128xf32, #tpu.memory_space<vmem>>
    %dma_start3A_75 = arith.constant 0 : i32
    %dma_start3A_76 = tpu.memref_slice %arg9[%dma_start3A_72, %dma_start3A_75] : memref<50x128xi32, #tpu.memory_space<vmem>> -> memref<1x128xi32, #tpu.memory_space<vmem>>
    %dma_start3A_77 = tpu.memref_squeeze %dma_start3A_76 : memref<1x128xi32, #tpu.memory_space<vmem>> -> memref<128xi32, #tpu.memory_space<vmem>>
    %dma_start3A_78 = arith.constant 0 : i32
    %dma_start3A_79 = tpu.memref_slice %arg5[%dma_start3A_78] : memref<1000000xf32, #tpu.memory_space<hbm>> -> memref<1000000xf32, #tpu.memory_space<hbm>>
    tpu.enqueue_indirect_dma source(%dma_start3A_79 : memref<1000000xf32, #tpu.memory_space<hbm>>) target(%dma_start3A_74 : memref<128xf32, #tpu.memory_space<vmem>>) offsets(%dma_start3A_77 : memref<128xi32, #tpu.memory_space<vmem>>) semaphore(%arg13 : memref<!tpu.dma_semaphore, #tpu.memory_space<semaphore_mem>>)
    %dma_start3A_80 = arith.constant 3 : i32
    %dma_start3A_81 = arith.constant 1280 : i32
    %dma_start3A_82 = tpu.memref_slice %arg11[%dma_start3A_81] : memref<3072xf32, #tpu.memory_space<vmem>> -> memref<128xf32, #tpu.memory_space<vmem>>
    %dma_start3A_83 = arith.constant 0 : i32
    %dma_start3A_84 = tpu.memref_slice %arg9[%dma_start3A_80, %dma_start3A_83] : memref<50x128xi32, #tpu.memory_space<vmem>> -> memref<1x128xi32, #tpu.memory_space<vmem>>
    %dma_start3A_85 = tpu.memref_squeeze %dma_start3A_84 : memref<1x128xi32, #tpu.memory_space<vmem>> -> memref<128xi32, #tpu.memory_space<vmem>>
    %dma_start3A_86 = arith.constant 0 : i32
    %dma_start3A_87 = tpu.memref_slice %arg6[%dma_start3A_86] : memref<1000000xf32, #tpu.memory_space<hbm>> -> memref<1000000xf32, #tpu.memory_space<hbm>>
    tpu.enqueue_indirect_dma source(%dma_start3A_87 : memref<1000000xf32, #tpu.memory_space<hbm>>) target(%dma_start3A_82 : memref<128xf32, #tpu.memory_space<vmem>>) offsets(%dma_start3A_85 : memref<128xi32, #tpu.memory_space<vmem>>) semaphore(%arg13 : memref<!tpu.dma_semaphore, #tpu.memory_space<semaphore_mem>>)
    %dma_start3A_88 = arith.constant 3 : i32
    %dma_start3A_89 = arith.constant 1408 : i32
    %dma_start3A_90 = tpu.memref_slice %arg11[%dma_start3A_89] : memref<3072xf32, #tpu.memory_space<vmem>> -> memref<128xf32, #tpu.memory_space<vmem>>
    %dma_start3A_91 = arith.constant 0 : i32
    %dma_start3A_92 = tpu.memref_slice %arg9[%dma_start3A_88, %dma_start3A_91] : memref<50x128xi32, #tpu.memory_space<vmem>> -> memref<1x128xi32, #tpu.memory_space<vmem>>
    %dma_start3A_93 = tpu.memref_squeeze %dma_start3A_92 : memref<1x128xi32, #tpu.memory_space<vmem>> -> memref<128xi32, #tpu.memory_space<vmem>>
    %dma_start3A_94 = arith.constant 0 : i32
    %dma_start3A_95 = tpu.memref_slice %arg7[%dma_start3A_94] : memref<1000000xf32, #tpu.memory_space<hbm>> -> memref<1000000xf32, #tpu.memory_space<hbm>>
    tpu.enqueue_indirect_dma source(%dma_start3A_95 : memref<1000000xf32, #tpu.memory_space<hbm>>) target(%dma_start3A_90 : memref<128xf32, #tpu.memory_space<vmem>>) offsets(%dma_start3A_93 : memref<128xi32, #tpu.memory_space<vmem>>) semaphore(%arg13 : memref<!tpu.dma_semaphore, #tpu.memory_space<semaphore_mem>>)
    %dma_start3A_96 = arith.constant 4 : i32
    %dma_start3A_97 = arith.constant 1536 : i32
    %dma_start3A_98 = tpu.memref_slice %arg11[%dma_start3A_97] : memref<3072xf32, #tpu.memory_space<vmem>> -> memref<128xf32, #tpu.memory_space<vmem>>
    %dma_start3A_99 = arith.constant 0 : i32
    %dma_start3A_100 = tpu.memref_slice %arg9[%dma_start3A_96, %dma_start3A_99] : memref<50x128xi32, #tpu.memory_space<vmem>> -> memref<1x128xi32, #tpu.memory_space<vmem>>
    %dma_start3A_101 = tpu.memref_squeeze %dma_start3A_100 : memref<1x128xi32, #tpu.memory_space<vmem>> -> memref<128xi32, #tpu.memory_space<vmem>>
    %dma_start3A_102 = arith.constant 0 : i32
    %dma_start3A_103 = tpu.memref_slice %arg5[%dma_start3A_102] : memref<1000000xf32, #tpu.memory_space<hbm>> -> memref<1000000xf32, #tpu.memory_space<hbm>>
    tpu.enqueue_indirect_dma source(%dma_start3A_103 : memref<1000000xf32, #tpu.memory_space<hbm>>) target(%dma_start3A_98 : memref<128xf32, #tpu.memory_space<vmem>>) offsets(%dma_start3A_101 : memref<128xi32, #tpu.memory_space<vmem>>) semaphore(%arg13 : memref<!tpu.dma_semaphore, #tpu.memory_space<semaphore_mem>>)
    %dma_start3A_104 = arith.constant 4 : i32
    %dma_start3A_105 = arith.constant 1664 : i32
    %dma_start3A_106 = tpu.memref_slice %arg11[%dma_start3A_105] : memref<3072xf32, #tpu.memory_space<vmem>> -> memref<128xf32, #tpu.memory_space<vmem>>
    %dma_start3A_107 = arith.constant 0 : i32
    %dma_start3A_108 = tpu.memref_slice %arg9[%dma_start3A_104, %dma_start3A_107] : memref<50x128xi32, #tpu.memory_space<vmem>> -> memref<1x128xi32, #tpu.memory_space<vmem>>
    %dma_start3A_109 = tpu.memref_squeeze %dma_start3A_108 : memref<1x128xi32, #tpu.memory_space<vmem>> -> memref<128xi32, #tpu.memory_space<vmem>>
    %dma_start3A_110 = arith.constant 0 : i32
    %dma_start3A_111 = tpu.memref_slice %arg6[%dma_start3A_110] : memref<1000000xf32, #tpu.memory_space<hbm>> -> memref<1000000xf32, #tpu.memory_space<hbm>>
    tpu.enqueue_indirect_dma source(%dma_start3A_111 : memref<1000000xf32, #tpu.memory_space<hbm>>) target(%dma_start3A_106 : memref<128xf32, #tpu.memory_space<vmem>>) offsets(%dma_start3A_109 : memref<128xi32, #tpu.memory_space<vmem>>) semaphore(%arg13 : memref<!tpu.dma_semaphore, #tpu.memory_space<semaphore_mem>>)
    %dma_start3A_112 = arith.constant 4 : i32
    %dma_start3A_113 = arith.constant 1792 : i32
    %dma_start3A_114 = tpu.memref_slice %arg11[%dma_start3A_113] : memref<3072xf32, #tpu.memory_space<vmem>> -> memref<128xf32, #tpu.memory_space<vmem>>
    %dma_start3A_115 = arith.constant 0 : i32
    %dma_start3A_116 = tpu.memref_slice %arg9[%dma_start3A_112, %dma_start3A_115] : memref<50x128xi32, #tpu.memory_space<vmem>> -> memref<1x128xi32, #tpu.memory_space<vmem>>
    %dma_start3A_117 = tpu.memref_squeeze %dma_start3A_116 : memref<1x128xi32, #tpu.memory_space<vmem>> -> memref<128xi32, #tpu.memory_space<vmem>>
    %dma_start3A_118 = arith.constant 0 : i32
    %dma_start3A_119 = tpu.memref_slice %arg7[%dma_start3A_118] : memref<1000000xf32, #tpu.memory_space<hbm>> -> memref<1000000xf32, #tpu.memory_space<hbm>>
    tpu.enqueue_indirect_dma source(%dma_start3A_119 : memref<1000000xf32, #tpu.memory_space<hbm>>) target(%dma_start3A_114 : memref<128xf32, #tpu.memory_space<vmem>>) offsets(%dma_start3A_117 : memref<128xi32, #tpu.memory_space<vmem>>) semaphore(%arg13 : memref<!tpu.dma_semaphore, #tpu.memory_space<semaphore_mem>>)
    %dma_start3A_120 = arith.constant 5 : i32
    %dma_start3A_121 = arith.constant 1920 : i32
    %dma_start3A_122 = tpu.memref_slice %arg11[%dma_start3A_121] : memref<3072xf32, #tpu.memory_space<vmem>> -> memref<128xf32, #tpu.memory_space<vmem>>
    %dma_start3A_123 = arith.constant 0 : i32
    %dma_start3A_124 = tpu.memref_slice %arg9[%dma_start3A_120, %dma_start3A_123] : memref<50x128xi32, #tpu.memory_space<vmem>> -> memref<1x128xi32, #tpu.memory_space<vmem>>
    %dma_start3A_125 = tpu.memref_squeeze %dma_start3A_124 : memref<1x128xi32, #tpu.memory_space<vmem>> -> memref<128xi32, #tpu.memory_space<vmem>>
    %dma_start3A_126 = arith.constant 0 : i32
    %dma_start3A_127 = tpu.memref_slice %arg5[%dma_start3A_126] : memref<1000000xf32, #tpu.memory_space<hbm>> -> memref<1000000xf32, #tpu.memory_space<hbm>>
    tpu.enqueue_indirect_dma source(%dma_start3A_127 : memref<1000000xf32, #tpu.memory_space<hbm>>) target(%dma_start3A_122 : memref<128xf32, #tpu.memory_space<vmem>>) offsets(%dma_start3A_125 : memref<128xi32, #tpu.memory_space<vmem>>) semaphore(%arg13 : memref<!tpu.dma_semaphore, #tpu.memory_space<semaphore_mem>>)
    %dma_start3A_128 = arith.constant 5 : i32
    %dma_start3A_129 = arith.constant 2048 : i32
    %dma_start3A_130 = tpu.memref_slice %arg11[%dma_start3A_129] : memref<3072xf32, #tpu.memory_space<vmem>> -> memref<128xf32, #tpu.memory_space<vmem>>
    %dma_start3A_131 = arith.constant 0 : i32
    %dma_start3A_132 = tpu.memref_slice %arg9[%dma_start3A_128, %dma_start3A_131] : memref<50x128xi32, #tpu.memory_space<vmem>> -> memref<1x128xi32, #tpu.memory_space<vmem>>
    %dma_start3A_133 = tpu.memref_squeeze %dma_start3A_132 : memref<1x128xi32, #tpu.memory_space<vmem>> -> memref<128xi32, #tpu.memory_space<vmem>>
    %dma_start3A_134 = arith.constant 0 : i32
    %dma_start3A_135 = tpu.memref_slice %arg6[%dma_start3A_134] : memref<1000000xf32, #tpu.memory_space<hbm>> -> memref<1000000xf32, #tpu.memory_space<hbm>>
    tpu.enqueue_indirect_dma source(%dma_start3A_135 : memref<1000000xf32, #tpu.memory_space<hbm>>) target(%dma_start3A_130 : memref<128xf32, #tpu.memory_space<vmem>>) offsets(%dma_start3A_133 : memref<128xi32, #tpu.memory_space<vmem>>) semaphore(%arg13 : memref<!tpu.dma_semaphore, #tpu.memory_space<semaphore_mem>>)
    %dma_start3A_136 = arith.constant 5 : i32
    %dma_start3A_137 = arith.constant 2176 : i32
    %dma_start3A_138 = tpu.memref_slice %arg11[%dma_start3A_137] : memref<3072xf32, #tpu.memory_space<vmem>> -> memref<128xf32, #tpu.memory_space<vmem>>
    %dma_start3A_139 = arith.constant 0 : i32
    %dma_start3A_140 = tpu.memref_slice %arg9[%dma_start3A_136, %dma_start3A_139] : memref<50x128xi32, #tpu.memory_space<vmem>> -> memref<1x128xi32, #tpu.memory_space<vmem>>
    %dma_start3A_141 = tpu.memref_squeeze %dma_start3A_140 : memref<1x128xi32, #tpu.memory_space<vmem>> -> memref<128xi32, #tpu.memory_space<vmem>>
    %dma_start3A_142 = arith.constant 0 : i32
    %dma_start3A_143 = tpu.memref_slice %arg7[%dma_start3A_142] : memref<1000000xf32, #tpu.memory_space<hbm>> -> memref<1000000xf32, #tpu.memory_space<hbm>>
    tpu.enqueue_indirect_dma source(%dma_start3A_143 : memref<1000000xf32, #tpu.memory_space<hbm>>) target(%dma_start3A_138 : memref<128xf32, #tpu.memory_space<vmem>>) offsets(%dma_start3A_141 : memref<128xi32, #tpu.memory_space<vmem>>) semaphore(%arg13 : memref<!tpu.dma_semaphore, #tpu.memory_space<semaphore_mem>>)
    %dma_start3A_144 = arith.constant 6 : i32
    %dma_start3A_145 = arith.constant 2304 : i32
    %dma_start3A_146 = tpu.memref_slice %arg11[%dma_start3A_145] : memref<3072xf32, #tpu.memory_space<vmem>> -> memref<128xf32, #tpu.memory_space<vmem>>
    %dma_start3A_147 = arith.constant 0 : i32
    %dma_start3A_148 = tpu.memref_slice %arg9[%dma_start3A_144, %dma_start3A_147] : memref<50x128xi32, #tpu.memory_space<vmem>> -> memref<1x128xi32, #tpu.memory_space<vmem>>
    %dma_start3A_149 = tpu.memref_squeeze %dma_start3A_148 : memref<1x128xi32, #tpu.memory_space<vmem>> -> memref<128xi32, #tpu.memory_space<vmem>>
    %dma_start3A_150 = arith.constant 0 : i32
    %dma_start3A_151 = tpu.memref_slice %arg5[%dma_start3A_150] : memref<1000000xf32, #tpu.memory_space<hbm>> -> memref<1000000xf32, #tpu.memory_space<hbm>>
    tpu.enqueue_indirect_dma source(%dma_start3A_151 : memref<1000000xf32, #tpu.memory_space<hbm>>) target(%dma_start3A_146 : memref<128xf32, #tpu.memory_space<vmem>>) offsets(%dma_start3A_149 : memref<128xi32, #tpu.memory_space<vmem>>) semaphore(%arg13 : memref<!tpu.dma_semaphore, #tpu.memory_space<semaphore_mem>>)
    %dma_start3A_152 = arith.constant 6 : i32
    %dma_start3A_153 = arith.constant 2432 : i32
    %dma_start3A_154 = tpu.memref_slice %arg11[%dma_start3A_153] : memref<3072xf32, #tpu.memory_space<vmem>> -> memref<128xf32, #tpu.memory_space<vmem>>
    %dma_start3A_155 = arith.constant 0 : i32
    %dma_start3A_156 = tpu.memref_slice %arg9[%dma_start3A_152, %dma_start3A_155] : memref<50x128xi32, #tpu.memory_space<vmem>> -> memref<1x128xi32, #tpu.memory_space<vmem>>
    %dma_start3A_157 = tpu.memref_squeeze %dma_start3A_156 : memref<1x128xi32, #tpu.memory_space<vmem>> -> memref<128xi32, #tpu.memory_space<vmem>>
    %dma_start3A_158 = arith.constant 0 : i32
    %dma_start3A_159 = tpu.memref_slice %arg6[%dma_start3A_158] : memref<1000000xf32, #tpu.memory_space<hbm>> -> memref<1000000xf32, #tpu.memory_space<hbm>>
    tpu.enqueue_indirect_dma source(%dma_start3A_159 : memref<1000000xf32, #tpu.memory_space<hbm>>) target(%dma_start3A_154 : memref<128xf32, #tpu.memory_space<vmem>>) offsets(%dma_start3A_157 : memref<128xi32, #tpu.memory_space<vmem>>) semaphore(%arg13 : memref<!tpu.dma_semaphore, #tpu.memory_space<semaphore_mem>>)
    %dma_start3A_160 = arith.constant 6 : i32
    %dma_start3A_161 = arith.constant 2560 : i32
    %dma_start3A_162 = tpu.memref_slice %arg11[%dma_start3A_161] : memref<3072xf32, #tpu.memory_space<vmem>> -> memref<128xf32, #tpu.memory_space<vmem>>
    %dma_start3A_163 = arith.constant 0 : i32
    %dma_start3A_164 = tpu.memref_slice %arg9[%dma_start3A_160, %dma_start3A_163] : memref<50x128xi32, #tpu.memory_space<vmem>> -> memref<1x128xi32, #tpu.memory_space<vmem>>
    %dma_start3A_165 = tpu.memref_squeeze %dma_start3A_164 : memref<1x128xi32, #tpu.memory_space<vmem>> -> memref<128xi32, #tpu.memory_space<vmem>>
    %dma_start3A_166 = arith.constant 0 : i32
    %dma_start3A_167 = tpu.memref_slice %arg7[%dma_start3A_166] : memref<1000000xf32, #tpu.memory_space<hbm>> -> memref<1000000xf32, #tpu.memory_space<hbm>>
    tpu.enqueue_indirect_dma source(%dma_start3A_167 : memref<1000000xf32, #tpu.memory_space<hbm>>) target(%dma_start3A_162 : memref<128xf32, #tpu.memory_space<vmem>>) offsets(%dma_start3A_165 : memref<128xi32, #tpu.memory_space<vmem>>) semaphore(%arg13 : memref<!tpu.dma_semaphore, #tpu.memory_space<semaphore_mem>>)
    %dma_start3A_168 = arith.constant 7 : i32
    %dma_start3A_169 = arith.constant 2688 : i32
    %dma_start3A_170 = tpu.memref_slice %arg11[%dma_start3A_169] : memref<3072xf32, #tpu.memory_space<vmem>> -> memref<128xf32, #tpu.memory_space<vmem>>
    %dma_start3A_171 = arith.constant 0 : i32
    %dma_start3A_172 = tpu.memref_slice %arg9[%dma_start3A_168, %dma_start3A_171] : memref<50x128xi32, #tpu.memory_space<vmem>> -> memref<1x128xi32, #tpu.memory_space<vmem>>
    %dma_start3A_173 = tpu.memref_squeeze %dma_start3A_172 : memref<1x128xi32, #tpu.memory_space<vmem>> -> memref<128xi32, #tpu.memory_space<vmem>>
    %dma_start3A_174 = arith.constant 0 : i32
    %dma_start3A_175 = tpu.memref_slice %arg5[%dma_start3A_174] : memref<1000000xf32, #tpu.memory_space<hbm>> -> memref<1000000xf32, #tpu.memory_space<hbm>>
    tpu.enqueue_indirect_dma source(%dma_start3A_175 : memref<1000000xf32, #tpu.memory_space<hbm>>) target(%dma_start3A_170 : memref<128xf32, #tpu.memory_space<vmem>>) offsets(%dma_start3A_173 : memref<128xi32, #tpu.memory_space<vmem>>) semaphore(%arg13 : memref<!tpu.dma_semaphore, #tpu.memory_space<semaphore_mem>>)
    %dma_start3A_176 = arith.constant 7 : i32
    %dma_start3A_177 = arith.constant 2816 : i32
    %dma_start3A_178 = tpu.memref_slice %arg11[%dma_start3A_177] : memref<3072xf32, #tpu.memory_space<vmem>> -> memref<128xf32, #tpu.memory_space<vmem>>
    %dma_start3A_179 = arith.constant 0 : i32
    %dma_start3A_180 = tpu.memref_slice %arg9[%dma_start3A_176, %dma_start3A_179] : memref<50x128xi32, #tpu.memory_space<vmem>> -> memref<1x128xi32, #tpu.memory_space<vmem>>
    %dma_start3A_181 = tpu.memref_squeeze %dma_start3A_180 : memref<1x128xi32, #tpu.memory_space<vmem>> -> memref<128xi32, #tpu.memory_space<vmem>>
    %dma_start3A_182 = arith.constant 0 : i32
    %dma_start3A_183 = tpu.memref_slice %arg6[%dma_start3A_182] : memref<1000000xf32, #tpu.memory_space<hbm>> -> memref<1000000xf32, #tpu.memory_space<hbm>>
    tpu.enqueue_indirect_dma source(%dma_start3A_183 : memref<1000000xf32, #tpu.memory_space<hbm>>) target(%dma_start3A_178 : memref<128xf32, #tpu.memory_space<vmem>>) offsets(%dma_start3A_181 : memref<128xi32, #tpu.memory_space<vmem>>) semaphore(%arg13 : memref<!tpu.dma_semaphore, #tpu.memory_space<semaphore_mem>>)
    %dma_start3A_184 = arith.constant 7 : i32
    %dma_start3A_185 = arith.constant 2944 : i32
    %dma_start3A_186 = tpu.memref_slice %arg11[%dma_start3A_185] : memref<3072xf32, #tpu.memory_space<vmem>> -> memref<128xf32, #tpu.memory_space<vmem>>
    %dma_start3A_187 = arith.constant 0 : i32
    %dma_start3A_188 = tpu.memref_slice %arg9[%dma_start3A_184, %dma_start3A_187] : memref<50x128xi32, #tpu.memory_space<vmem>> -> memref<1x128xi32, #tpu.memory_space<vmem>>
    %dma_start3A_189 = tpu.memref_squeeze %dma_start3A_188 : memref<1x128xi32, #tpu.memory_space<vmem>> -> memref<128xi32, #tpu.memory_space<vmem>>
    %dma_start3A_190 = arith.constant 0 : i32
    %dma_start3A_191 = tpu.memref_slice %arg7[%dma_start3A_190] : memref<1000000xf32, #tpu.memory_space<hbm>> -> memref<1000000xf32, #tpu.memory_space<hbm>>
    tpu.enqueue_indirect_dma source(%dma_start3A_191 : memref<1000000xf32, #tpu.memory_space<hbm>>) target(%dma_start3A_186 : memref<128xf32, #tpu.memory_space<vmem>>) offsets(%dma_start3A_189 : memref<128xi32, #tpu.memory_space<vmem>>) semaphore(%arg13 : memref<!tpu.dma_semaphore, #tpu.memory_space<semaphore_mem>>)
    %scan3A = arith.constant 0 : i32
    %scan3A_192 = arith.constant 50 : i32
    %scan3A_193 = arith.addi %scan3A, %scan3A_192 : i32
    %scan3A_194 = arith.constant 1 : i32
    scf.for %scan3A_200 = %scan3A to %scan3A_193 step %scan3A_194  : i32 {
      %rem3A = arith.constant 8 : i32
      %rem3A_201 = arith.remsi %scan3A_200, %rem3A : i32
      %mul3A_202 = arith.constant 3 : i32
      %mul3A_203 = arith.muli %rem3A_201, %mul3A_202 : i32
      %add3A_204 = arith.constant 0 : i32
      %add3A_205 = arith.addi %mul3A_203, %add3A_204 : i32
      %mul3A_206 = arith.constant 128 : i32
      %mul3A_207 = arith.muli %add3A_205, %mul3A_206 : i32
      %dma_wait3A = tpu.memref_slice %arg11[%mul3A_207] : memref<3072xf32, #tpu.memory_space<vmem>> -> memref<128xf32, #tpu.memory_space<vmem>>
      %dma_wait3A_208 = arith.constant 0 : i32
      %dma_wait3A_209 = tpu.memref_slice %arg9[%scan3A_200, %dma_wait3A_208] : memref<50x128xi32, #tpu.memory_space<vmem>> -> memref<1x128xi32, #tpu.memory_space<vmem>>
      %dma_wait3A_210 = tpu.memref_squeeze %dma_wait3A_209 : memref<1x128xi32, #tpu.memory_space<vmem>> -> memref<128xi32, #tpu.memory_space<vmem>>
      %dma_wait3A_211 = arith.constant 0 : i32
      %dma_wait3A_212 = tpu.memref_slice %arg5[%dma_wait3A_211] : memref<1000000xf32, #tpu.memory_space<hbm>> -> memref<1000000xf32, #tpu.memory_space<hbm>>
      tpu.wait_indirect_dma semaphore(%arg13 : memref<!tpu.dma_semaphore, #tpu.memory_space<semaphore_mem>>) src(%dma_wait3A_212 : memref<1000000xf32, #tpu.memory_space<hbm>>) dst(%dma_wait3A : memref<128xf32, #tpu.memory_space<vmem>>)
      %mul3A_213 = arith.constant 3 : i32
      %mul3A_214 = arith.muli %rem3A_201, %mul3A_213 : i32
      %add3A_215 = arith.constant 1 : i32
      %add3A_216 = arith.addi %mul3A_214, %add3A_215 : i32
      %mul3A_217 = arith.constant 128 : i32
      %mul3A_218 = arith.muli %add3A_216, %mul3A_217 : i32
      %dma_wait3A_219 = tpu.memref_slice %arg11[%mul3A_218] : memref<3072xf32, #tpu.memory_space<vmem>> -> memref<128xf32, #tpu.memory_space<vmem>>
      %dma_wait3A_220 = arith.constant 0 : i32
      %dma_wait3A_221 = tpu.memref_slice %arg9[%scan3A_200, %dma_wait3A_220] : memref<50x128xi32, #tpu.memory_space<vmem>> -> memref<1x128xi32, #tpu.memory_space<vmem>>
      %dma_wait3A_222 = tpu.memref_squeeze %dma_wait3A_221 : memref<1x128xi32, #tpu.memory_space<vmem>> -> memref<128xi32, #tpu.memory_space<vmem>>
      %dma_wait3A_223 = arith.constant 0 : i32
      %dma_wait3A_224 = tpu.memref_slice %arg6[%dma_wait3A_223] : memref<1000000xf32, #tpu.memory_space<hbm>> -> memref<1000000xf32, #tpu.memory_space<hbm>>
      tpu.wait_indirect_dma semaphore(%arg13 : memref<!tpu.dma_semaphore, #tpu.memory_space<semaphore_mem>>) src(%dma_wait3A_224 : memref<1000000xf32, #tpu.memory_space<hbm>>) dst(%dma_wait3A_219 : memref<128xf32, #tpu.memory_space<vmem>>)
      %mul3A_225 = arith.constant 3 : i32
      %mul3A_226 = arith.muli %rem3A_201, %mul3A_225 : i32
      %add3A_227 = arith.constant 2 : i32
      %add3A_228 = arith.addi %mul3A_226, %add3A_227 : i32
      %mul3A_229 = arith.constant 128 : i32
      %mul3A_230 = arith.muli %add3A_228, %mul3A_229 : i32
      %dma_wait3A_231 = tpu.memref_slice %arg11[%mul3A_230] : memref<3072xf32, #tpu.memory_space<vmem>> -> memref<128xf32, #tpu.memory_space<vmem>>
      %dma_wait3A_232 = arith.constant 0 : i32
      %dma_wait3A_233 = tpu.memref_slice %arg9[%scan3A_200, %dma_wait3A_232] : memref<50x128xi32, #tpu.memory_space<vmem>> -> memref<1x128xi32, #tpu.memory_space<vmem>>
      %dma_wait3A_234 = tpu.memref_squeeze %dma_wait3A_233 : memref<1x128xi32, #tpu.memory_space<vmem>> -> memref<128xi32, #tpu.memory_space<vmem>>
      %dma_wait3A_235 = arith.constant 0 : i32
      %dma_wait3A_236 = tpu.memref_slice %arg7[%dma_wait3A_235] : memref<1000000xf32, #tpu.memory_space<hbm>> -> memref<1000000xf32, #tpu.memory_space<hbm>>
      tpu.wait_indirect_dma semaphore(%arg13 : memref<!tpu.dma_semaphore, #tpu.memory_space<semaphore_mem>>) src(%dma_wait3A_236 : memref<1000000xf32, #tpu.memory_space<hbm>>) dst(%dma_wait3A_231 : memref<128xf32, #tpu.memory_space<vmem>>)
      %mul3A_237 = arith.constant 3 : i32
      %mul3A_238 = arith.muli %rem3A_201, %mul3A_237 : i32
      %add3A_239 = arith.constant 0 : i32
      %add3A_240 = arith.addi %mul3A_238, %add3A_239 : i32
      %mul3A_241 = arith.constant 128 : i32
      %mul3A_242 = arith.muli %add3A_240, %mul3A_241 : i32
      %add3A_243 = arith.constant 0 : i32
      %add3A_244 = arith.addi %mul3A_242, %add3A_243 : i32
      %get3A = arith.index_cast %add3A_244 : i32 to index
      %get3A_245 = tpu.vector_load %arg11[%get3A] {strides = array<i32>} : memref<3072xf32, #tpu.memory_space<vmem>>, vector<16xf32>,
      %bitcast_convert_type3A = tpu.bitcast %get3A_245 : vector<16xf32> -> vector<16xi32>
      %shift_left3A = arith.constant 16 : i32
      %shift_left3A_246 = vector.broadcast %shift_left3A : i32 to vector<16xi32>
      %shift_left3A_247 = arith.shli %bitcast_convert_type3A, %shift_left3A_246 : vector<16xi32>
      %bitcast_convert_type3A_248 = tpu.bitcast %shift_left3A_247 : vector<16xi32> -> vector<16xf32>
      %and3A = arith.constant -65536 : i32
      %and3A_249 = vector.broadcast %and3A : i32 to vector<16xi32>
      %and3A_250 = arith.andi %bitcast_convert_type3A, %and3A_249 : vector<16xi32>
      %bitcast_convert_type3A_251 = tpu.bitcast %and3A_250 : vector<16xi32> -> vector<16xf32>
      %get3A_252 = arith.constant 0 : i32
      %get3A_253 = arith.index_cast %get3A_252 : i32 to index
      %get3A_254 = arith.constant 0 : index
      %get3A_255 = tpu.vector_load %arg10[%get3A_253, %get3A_254] {strides = array<i32>} : memref<48x16xi32, #tpu.memory_space<vmem>>, vector<16xi32>,
      tpu.vector_store_idx %arg12[%get3A_255], %bitcast_convert_type3A_248 {add = true} : memref<1024xf32, #tpu.memory_space<vmem>>[vector<16xi32>], vector<16xf32>,
      %get3A_256 = arith.constant 8 : i32
      %get3A_257 = arith.index_cast %get3A_256 : i32 to index
      %get3A_258 = arith.constant 0 : index
      %get3A_259 = tpu.vector_load %arg10[%get3A_257, %get3A_258] {strides = array<i32>} : memref<48x16xi32, #tpu.memory_space<vmem>>, vector<16xi32>,
      tpu.vector_store_idx %arg12[%get3A_259], %bitcast_convert_type3A_251 {add = true} : memref<1024xf32, #tpu.memory_space<vmem>>[vector<16xi32>], vector<16xf32>,
      %mul3A_260 = arith.constant 3 : i32
      %mul3A_261 = arith.muli %rem3A_201, %mul3A_260 : i32
      %add3A_262 = arith.constant 0 : i32
      %add3A_263 = arith.addi %mul3A_261, %add3A_262 : i32
      %mul3A_264 = arith.constant 128 : i32
      %mul3A_265 = arith.muli %add3A_263, %mul3A_264 : i32
      %add3A_266 = arith.constant 16 : i32
      %add3A_267 = arith.addi %mul3A_265, %add3A_266 : i32
      %get3A_268 = arith.index_cast %add3A_267 : i32 to index
      %get3A_269 = tpu.vector_load %arg11[%get3A_268] {strides = array<i32>} : memref<3072xf32, #tpu.memory_space<vmem>>, vector<16xf32>,
      %bitcast_convert_type3A_270 = tpu.bitcast %get3A_269 : vector<16xf32> -> vector<16xi32>
      %shift_left3A_271 = arith.constant 16 : i32
      %shift_left3A_272 = vector.broadcast %shift_left3A_271 : i32 to vector<16xi32>
      %shift_left3A_273 = arith.shli %bitcast_convert_type3A_270, %shift_left3A_272 : vector<16xi32>
      %bitcast_convert_type3A_274 = tpu.bitcast %shift_left3A_273 : vector<16xi32> -> vector<16xf32>
      %and3A_275 = arith.constant -65536 : i32
      %and3A_276 = vector.broadcast %and3A_275 : i32 to vector<16xi32>
      %and3A_277 = arith.andi %bitcast_convert_type3A_270, %and3A_276 : vector<16xi32>
      %bitcast_convert_type3A_278 = tpu.bitcast %and3A_277 : vector<16xi32> -> vector<16xf32>
      %get3A_279 = arith.constant 1 : i32
      %get3A_280 = arith.index_cast %get3A_279 : i32 to index
      %get3A_281 = arith.constant 0 : index
      %get3A_282 = tpu.vector_load %arg10[%get3A_280, %get3A_281] {strides = array<i32>} : memref<48x16xi32, #tpu.memory_space<vmem>>, vector<16xi32>,
      tpu.vector_store_idx %arg12[%get3A_282], %bitcast_convert_type3A_274 {add = true} : memref<1024xf32, #tpu.memory_space<vmem>>[vector<16xi32>], vector<16xf32>,
      %get3A_283 = arith.constant 9 : i32
      %get3A_284 = arith.index_cast %get3A_283 : i32 to index
      %get3A_285 = arith.constant 0 : index
      %get3A_286 = tpu.vector_load %arg10[%get3A_284, %get3A_285] {strides = array<i32>} : memref<48x16xi32, #tpu.memory_space<vmem>>, vector<16xi32>,
      tpu.vector_store_idx %arg12[%get3A_286], %bitcast_convert_type3A_278 {add = true} : memref<1024xf32, #tpu.memory_space<vmem>>[vector<16xi32>], vector<16xf32>,
      %mul3A_287 = arith.constant 3 : i32
      %mul3A_288 = arith.muli %rem3A_201, %mul3A_287 : i32
      %add3A_289 = arith.constant 0 : i32
      %add3A_290 = arith.addi %mul3A_288, %add3A_289 : i32
      %mul3A_291 = arith.constant 128 : i32
      %mul3A_292 = arith.muli %add3A_290, %mul3A_291 : i32
      %add3A_293 = arith.constant 32 : i32
      %add3A_294 = arith.addi %mul3A_292, %add3A_293 : i32
      %get3A_295 = arith.index_cast %add3A_294 : i32 to index
      %get3A_296 = tpu.vector_load %arg11[%get3A_295] {strides = array<i32>} : memref<3072xf32, #tpu.memory_space<vmem>>, vector<16xf32>,
      %bitcast_convert_type3A_297 = tpu.bitcast %get3A_296 : vector<16xf32> -> vector<16xi32>
      %shift_left3A_298 = arith.constant 16 : i32
      %shift_left3A_299 = vector.broadcast %shift_left3A_298 : i32 to vector<16xi32>
      %shift_left3A_300 = arith.shli %bitcast_convert_type3A_297, %shift_left3A_299 : vector<16xi32>
      %bitcast_convert_type3A_301 = tpu.bitcast %shift_left3A_300 : vector<16xi32> -> vector<16xf32>
      %and3A_302 = arith.constant -65536 : i32
      %and3A_303 = vector.broadcast %and3A_302 : i32 to vector<16xi32>
      %and3A_304 = arith.andi %bitcast_convert_type3A_297, %and3A_303 : vector<16xi32>
      %bitcast_convert_type3A_305 = tpu.bitcast %and3A_304 : vector<16xi32> -> vector<16xf32>
      %get3A_306 = arith.constant 2 : i32
      %get3A_307 = arith.index_cast %get3A_306 : i32 to index
      %get3A_308 = arith.constant 0 : index
      %get3A_309 = tpu.vector_load %arg10[%get3A_307, %get3A_308] {strides = array<i32>} : memref<48x16xi32, #tpu.memory_space<vmem>>, vector<16xi32>,
      tpu.vector_store_idx %arg12[%get3A_309], %bitcast_convert_type3A_301 {add = true} : memref<1024xf32, #tpu.memory_space<vmem>>[vector<16xi32>], vector<16xf32>,
      %get3A_310 = arith.constant 10 : i32
      %get3A_311 = arith.index_cast %get3A_310 : i32 to index
      %get3A_312 = arith.constant 0 : index
      %get3A_313 = tpu.vector_load %arg10[%get3A_311, %get3A_312] {strides = array<i32>} : memref<48x16xi32, #tpu.memory_space<vmem>>, vector<16xi32>,
      tpu.vector_store_idx %arg12[%get3A_313], %bitcast_convert_type3A_305 {add = true} : memref<1024xf32, #tpu.memory_space<vmem>>[vector<16xi32>], vector<16xf32>,
      %mul3A_314 = arith.constant 3 : i32
      %mul3A_315 = arith.muli %rem3A_201, %mul3A_314 : i32
      %add3A_316 = arith.constant 0 : i32
      %add3A_317 = arith.addi %mul3A_315, %add3A_316 : i32
      %mul3A_318 = arith.constant 128 : i32
      %mul3A_319 = arith.muli %add3A_317, %mul3A_318 : i32
      %add3A_320 = arith.constant 48 : i32
      %add3A_321 = arith.addi %mul3A_319, %add3A_320 : i32
      %get3A_322 = arith.index_cast %add3A_321 : i32 to index
      %get3A_323 = tpu.vector_load %arg11[%get3A_322] {strides = array<i32>} : memref<3072xf32, #tpu.memory_space<vmem>>, vector<16xf32>,
      %bitcast_convert_type3A_324 = tpu.bitcast %get3A_323 : vector<16xf32> -> vector<16xi32>
      %shift_left3A_325 = arith.constant 16 : i32
      %shift_left3A_326 = vector.broadcast %shift_left3A_325 : i32 to vector<16xi32>
      %shift_left3A_327 = arith.shli %bitcast_convert_type3A_324, %shift_left3A_326 : vector<16xi32>
      %bitcast_convert_type3A_328 = tpu.bitcast %shift_left3A_327 : vector<16xi32> -> vector<16xf32>
      %and3A_329 = arith.constant -65536 : i32
      %and3A_330 = vector.broadcast %and3A_329 : i32 to vector<16xi32>
      %and3A_331 = arith.andi %bitcast_convert_type3A_324, %and3A_330 : vector<16xi32>
      %bitcast_convert_type3A_332 = tpu.bitcast %and3A_331 : vector<16xi32> -> vector<16xf32>
      %get3A_333 = arith.constant 3 : i32
      %get3A_334 = arith.index_cast %get3A_333 : i32 to index
      %get3A_335 = arith.constant 0 : index
      %get3A_336 = tpu.vector_load %arg10[%get3A_334, %get3A_335] {strides = array<i32>} : memref<48x16xi32, #tpu.memory_space<vmem>>, vector<16xi32>,
      tpu.vector_store_idx %arg12[%get3A_336], %bitcast_convert_type3A_328 {add = true} : memref<1024xf32, #tpu.memory_space<vmem>>[vector<16xi32>], vector<16xf32>,
      %get3A_337 = arith.constant 11 : i32
      %get3A_338 = arith.index_cast %get3A_337 : i32 to index
      %get3A_339 = arith.constant 0 : index
      %get3A_340 = tpu.vector_load %arg10[%get3A_338, %get3A_339] {strides = array<i32>} : memref<48x16xi32, #tpu.memory_space<vmem>>, vector<16xi32>,
      tpu.vector_store_idx %arg12[%get3A_340], %bitcast_convert_type3A_332 {add = true} : memref<1024xf32, #tpu.memory_space<vmem>>[vector<16xi32>], vector<16xf32>,
      %mul3A_341 = arith.constant 3 : i32
      %mul3A_342 = arith.muli %rem3A_201, %mul3A_341 : i32
      %add3A_343 = arith.constant 0 : i32
      %add3A_344 = arith.addi %mul3A_342, %add3A_343 : i32
      %mul3A_345 = arith.constant 128 : i32
      %mul3A_346 = arith.muli %add3A_344, %mul3A_345 : i32
      %add3A_347 = arith.constant 64 : i32
      %add3A_348 = arith.addi %mul3A_346, %add3A_347 : i32
      %get3A_349 = arith.index_cast %add3A_348 : i32 to index
      %get3A_350 = tpu.vector_load %arg11[%get3A_349] {strides = array<i32>} : memref<3072xf32, #tpu.memory_space<vmem>>, vector<16xf32>,
      %bitcast_convert_type3A_351 = tpu.bitcast %get3A_350 : vector<16xf32> -> vector<16xi32>
      %shift_left3A_352 = arith.constant 16 : i32
      %shift_left3A_353 = vector.broadcast %shift_left3A_352 : i32 to vector<16xi32>
      %shift_left3A_354 = arith.shli %bitcast_convert_type3A_351, %shift_left3A_353 : vector<16xi32>
      %bitcast_convert_type3A_355 = tpu.bitcast %shift_left3A_354 : vector<16xi32> -> vector<16xf32>
      %and3A_356 = arith.constant -65536 : i32
      %and3A_357 = vector.broadcast %and3A_356 : i32 to vector<16xi32>
      %and3A_358 = arith.andi %bitcast_convert_type3A_351, %and3A_357 : vector<16xi32>
      %bitcast_convert_type3A_359 = tpu.bitcast %and3A_358 : vector<16xi32> -> vector<16xf32>
      %get3A_360 = arith.constant 4 : i32
      %get3A_361 = arith.index_cast %get3A_360 : i32 to index
      %get3A_362 = arith.constant 0 : index
      %get3A_363 = tpu.vector_load %arg10[%get3A_361, %get3A_362] {strides = array<i32>} : memref<48x16xi32, #tpu.memory_space<vmem>>, vector<16xi32>,
      tpu.vector_store_idx %arg12[%get3A_363], %bitcast_convert_type3A_355 {add = true} : memref<1024xf32, #tpu.memory_space<vmem>>[vector<16xi32>], vector<16xf32>,
      %get3A_364 = arith.constant 12 : i32
      %get3A_365 = arith.index_cast %get3A_364 : i32 to index
      %get3A_366 = arith.constant 0 : index
      %get3A_367 = tpu.vector_load %arg10[%get3A_365, %get3A_366] {strides = array<i32>} : memref<48x16xi32, #tpu.memory_space<vmem>>, vector<16xi32>,
      tpu.vector_store_idx %arg12[%get3A_367], %bitcast_convert_type3A_359 {add = true} : memref<1024xf32, #tpu.memory_space<vmem>>[vector<16xi32>], vector<16xf32>,
      %mul3A_368 = arith.constant 3 : i32
      %mul3A_369 = arith.muli %rem3A_201, %mul3A_368 : i32
      %add3A_370 = arith.constant 0 : i32
      %add3A_371 = arith.addi %mul3A_369, %add3A_370 : i32
      %mul3A_372 = arith.constant 128 : i32
      %mul3A_373 = arith.muli %add3A_371, %mul3A_372 : i32
      %add3A_374 = arith.constant 80 : i32
      %add3A_375 = arith.addi %mul3A_373, %add3A_374 : i32
      %get3A_376 = arith.index_cast %add3A_375 : i32 to index
      %get3A_377 = tpu.vector_load %arg11[%get3A_376] {strides = array<i32>} : memref<3072xf32, #tpu.memory_space<vmem>>, vector<16xf32>,
      %bitcast_convert_type3A_378 = tpu.bitcast %get3A_377 : vector<16xf32> -> vector<16xi32>
      %shift_left3A_379 = arith.constant 16 : i32
      %shift_left3A_380 = vector.broadcast %shift_left3A_379 : i32 to vector<16xi32>
      %shift_left3A_381 = arith.shli %bitcast_convert_type3A_378, %shift_left3A_380 : vector<16xi32>
      %bitcast_convert_type3A_382 = tpu.bitcast %shift_left3A_381 : vector<16xi32> -> vector<16xf32>
      %and3A_383 = arith.constant -65536 : i32
      %and3A_384 = vector.broadcast %and3A_383 : i32 to vector<16xi32>
      %and3A_385 = arith.andi %bitcast_convert_type3A_378, %and3A_384 : vector<16xi32>
      %bitcast_convert_type3A_386 = tpu.bitcast %and3A_385 : vector<16xi32> -> vector<16xf32>
      %get3A_387 = arith.constant 5 : i32
      %get3A_388 = arith.index_cast %get3A_387 : i32 to index
      %get3A_389 = arith.constant 0 : index
      %get3A_390 = tpu.vector_load %arg10[%get3A_388, %get3A_389] {strides = array<i32>} : memref<48x16xi32, #tpu.memory_space<vmem>>, vector<16xi32>,
      tpu.vector_store_idx %arg12[%get3A_390], %bitcast_convert_type3A_382 {add = true} : memref<1024xf32, #tpu.memory_space<vmem>>[vector<16xi32>], vector<16xf32>,
      %get3A_391 = arith.constant 13 : i32
      %get3A_392 = arith.index_cast %get3A_391 : i32 to index
      %get3A_393 = arith.constant 0 : index
      %get3A_394 = tpu.vector_load %arg10[%get3A_392, %get3A_393] {strides = array<i32>} : memref<48x16xi32, #tpu.memory_space<vmem>>, vector<16xi32>,
      tpu.vector_store_idx %arg12[%get3A_394], %bitcast_convert_type3A_386 {add = true} : memref<1024xf32, #tpu.memory_space<vmem>>[vector<16xi32>], vector<16xf32>,
      %mul3A_395 = arith.constant 3 : i32
      %mul3A_396 = arith.muli %rem3A_201, %mul3A_395 : i32
      %add3A_397 = arith.constant 0 : i32
      %add3A_398 = arith.addi %mul3A_396, %add3A_397 : i32
      %mul3A_399 = arith.constant 128 : i32
      %mul3A_400 = arith.muli %add3A_398, %mul3A_399 : i32
      %add3A_401 = arith.constant 96 : i32
      %add3A_402 = arith.addi %mul3A_400, %add3A_401 : i32
      %get3A_403 = arith.index_cast %add3A_402 : i32 to index
      %get3A_404 = tpu.vector_load %arg11[%get3A_403] {strides = array<i32>} : memref<3072xf32, #tpu.memory_space<vmem>>, vector<16xf32>,
      %bitcast_convert_type3A_405 = tpu.bitcast %get3A_404 : vector<16xf32> -> vector<16xi32>
      %shift_left3A_406 = arith.constant 16 : i32
      %shift_left3A_407 = vector.broadcast %shift_left3A_406 : i32 to vector<16xi32>
      %shift_left3A_408 = arith.shli %bitcast_convert_type3A_405, %shift_left3A_407 : vector<16xi32>
      %bitcast_convert_type3A_409 = tpu.bitcast %shift_left3A_408 : vector<16xi32> -> vector<16xf32>
      %and3A_410 = arith.constant -65536 : i32
      %and3A_411 = vector.broadcast %and3A_410 : i32 to vector<16xi32>
      %and3A_412 = arith.andi %bitcast_convert_type3A_405, %and3A_411 : vector<16xi32>
      %bitcast_convert_type3A_413 = tpu.bitcast %and3A_412 : vector<16xi32> -> vector<16xf32>
      %get3A_414 = arith.constant 6 : i32
      %get3A_415 = arith.index_cast %get3A_414 : i32 to index
      %get3A_416 = arith.constant 0 : index
      %get3A_417 = tpu.vector_load %arg10[%get3A_415, %get3A_416] {strides = array<i32>} : memref<48x16xi32, #tpu.memory_space<vmem>>, vector<16xi32>,
      tpu.vector_store_idx %arg12[%get3A_417], %bitcast_convert_type3A_409 {add = true} : memref<1024xf32, #tpu.memory_space<vmem>>[vector<16xi32>], vector<16xf32>,
      %get3A_418 = arith.constant 14 : i32
      %get3A_419 = arith.index_cast %get3A_418 : i32 to index
      %get3A_420 = arith.constant 0 : index
      %get3A_421 = tpu.vector_load %arg10[%get3A_419, %get3A_420] {strides = array<i32>} : memref<48x16xi32, #tpu.memory_space<vmem>>, vector<16xi32>,
      tpu.vector_store_idx %arg12[%get3A_421], %bitcast_convert_type3A_413 {add = true} : memref<1024xf32, #tpu.memory_space<vmem>>[vector<16xi32>], vector<16xf32>,
      %mul3A_422 = arith.constant 3 : i32
      %mul3A_423 = arith.muli %rem3A_201, %mul3A_422 : i32
      %add3A_424 = arith.constant 0 : i32
      %add3A_425 = arith.addi %mul3A_423, %add3A_424 : i32
      %mul3A_426 = arith.constant 128 : i32
      %mul3A_427 = arith.muli %add3A_425, %mul3A_426 : i32
      %add3A_428 = arith.constant 112 : i32
      %add3A_429 = arith.addi %mul3A_427, %add3A_428 : i32
      %get3A_430 = arith.index_cast %add3A_429 : i32 to index
      %get3A_431 = tpu.vector_load %arg11[%get3A_430] {strides = array<i32>} : memref<3072xf32, #tpu.memory_space<vmem>>, vector<16xf32>,
      %bitcast_convert_type3A_432 = tpu.bitcast %get3A_431 : vector<16xf32> -> vector<16xi32>
      %shift_left3A_433 = arith.constant 16 : i32
      %shift_left3A_434 = vector.broadcast %shift_left3A_433 : i32 to vector<16xi32>
      %shift_left3A_435 = arith.shli %bitcast_convert_type3A_432, %shift_left3A_434 : vector<16xi32>
      %bitcast_convert_type3A_436 = tpu.bitcast %shift_left3A_435 : vector<16xi32> -> vector<16xf32>
      %and3A_437 = arith.constant -65536 : i32
      %and3A_438 = vector.broadcast %and3A_437 : i32 to vector<16xi32>
      %and3A_439 = arith.andi %bitcast_convert_type3A_432, %and3A_438 : vector<16xi32>
      %bitcast_convert_type3A_440 = tpu.bitcast %and3A_439 : vector<16xi32> -> vector<16xf32>
      %get3A_441 = arith.constant 7 : i32
      %get3A_442 = arith.index_cast %get3A_441 : i32 to index
      %get3A_443 = arith.constant 0 : index
      %get3A_444 = tpu.vector_load %arg10[%get3A_442, %get3A_443] {strides = array<i32>} : memref<48x16xi32, #tpu.memory_space<vmem>>, vector<16xi32>,
      tpu.vector_store_idx %arg12[%get3A_444], %bitcast_convert_type3A_436 {add = true} : memref<1024xf32, #tpu.memory_space<vmem>>[vector<16xi32>], vector<16xf32>,
      %get3A_445 = arith.constant 15 : i32
      %get3A_446 = arith.index_cast %get3A_445 : i32 to index
      %get3A_447 = arith.constant 0 : index
      %get3A_448 = tpu.vector_load %arg10[%get3A_446, %get3A_447] {strides = array<i32>} : memref<48x16xi32, #tpu.memory_space<vmem>>, vector<16xi32>,
      tpu.vector_store_idx %arg12[%get3A_448], %bitcast_convert_type3A_440 {add = true} : memref<1024xf32, #tpu.memory_space<vmem>>[vector<16xi32>], vector<16xf32>,
      %mul3A_449 = arith.constant 3 : i32
      %mul3A_450 = arith.muli %rem3A_201, %mul3A_449 : i32
      %add3A_451 = arith.constant 1 : i32
      %add3A_452 = arith.addi %mul3A_450, %add3A_451 : i32
      %mul3A_453 = arith.constant 128 : i32
      %mul3A_454 = arith.muli %add3A_452, %mul3A_453 : i32
      %add3A_455 = arith.constant 0 : i32
      %add3A_456 = arith.addi %mul3A_454, %add3A_455 : i32
      %get3A_457 = arith.index_cast %add3A_456 : i32 to index
      %get3A_458 = tpu.vector_load %arg11[%get3A_457] {strides = array<i32>} : memref<3072xf32, #tpu.memory_space<vmem>>, vector<16xf32>,
      %bitcast_convert_type3A_459 = tpu.bitcast %get3A_458 : vector<16xf32> -> vector<16xi32>
      %shift_left3A_460 = arith.constant 16 : i32
      %shift_left3A_461 = vector.broadcast %shift_left3A_460 : i32 to vector<16xi32>
      %shift_left3A_462 = arith.shli %bitcast_convert_type3A_459, %shift_left3A_461 : vector<16xi32>
      %bitcast_convert_type3A_463 = tpu.bitcast %shift_left3A_462 : vector<16xi32> -> vector<16xf32>
      %and3A_464 = arith.constant -65536 : i32
      %and3A_465 = vector.broadcast %and3A_464 : i32 to vector<16xi32>
      %and3A_466 = arith.andi %bitcast_convert_type3A_459, %and3A_465 : vector<16xi32>
      %bitcast_convert_type3A_467 = tpu.bitcast %and3A_466 : vector<16xi32> -> vector<16xf32>
      %get3A_468 = arith.constant 16 : i32
      %get3A_469 = arith.index_cast %get3A_468 : i32 to index
      %get3A_470 = arith.constant 0 : index
      %get3A_471 = tpu.vector_load %arg10[%get3A_469, %get3A_470] {strides = array<i32>} : memref<48x16xi32, #tpu.memory_space<vmem>>, vector<16xi32>,
      tpu.vector_store_idx %arg12[%get3A_471], %bitcast_convert_type3A_463 {add = true} : memref<1024xf32, #tpu.memory_space<vmem>>[vector<16xi32>], vector<16xf32>,
      %get3A_472 = arith.constant 24 : i32
      %get3A_473 = arith.index_cast %get3A_472 : i32 to index
      %get3A_474 = arith.constant 0 : index
      %get3A_475 = tpu.vector_load %arg10[%get3A_473, %get3A_474] {strides = array<i32>} : memref<48x16xi32, #tpu.memory_space<vmem>>, vector<16xi32>,
      tpu.vector_store_idx %arg12[%get3A_475], %bitcast_convert_type3A_467 {add = true} : memref<1024xf32, #tpu.memory_space<vmem>>[vector<16xi32>], vector<16xf32>,
      %mul3A_476 = arith.constant 3 : i32
      %mul3A_477 = arith.muli %rem3A_201, %mul3A_476 : i32
      %add3A_478 = arith.constant 1 : i32
      %add3A_479 = arith.addi %mul3A_477, %add3A_478 : i32
      %mul3A_480 = arith.constant 128 : i32
      %mul3A_481 = arith.muli %add3A_479, %mul3A_480 : i32
      %add3A_482 = arith.constant 16 : i32
      %add3A_483 = arith.addi %mul3A_481, %add3A_482 : i32
      %get3A_484 = arith.index_cast %add3A_483 : i32 to index
      %get3A_485 = tpu.vector_load %arg11[%get3A_484] {strides = array<i32>} : memref<3072xf32, #tpu.memory_space<vmem>>, vector<16xf32>,
      %bitcast_convert_type3A_486 = tpu.bitcast %get3A_485 : vector<16xf32> -> vector<16xi32>
      %shift_left3A_487 = arith.constant 16 : i32
      %shift_left3A_488 = vector.broadcast %shift_left3A_487 : i32 to vector<16xi32>
      %shift_left3A_489 = arith.shli %bitcast_convert_type3A_486, %shift_left3A_488 : vector<16xi32>
      %bitcast_convert_type3A_490 = tpu.bitcast %shift_left3A_489 : vector<16xi32> -> vector<16xf32>
      %and3A_491 = arith.constant -65536 : i32
      %and3A_492 = vector.broadcast %and3A_491 : i32 to vector<16xi32>
      %and3A_493 = arith.andi %bitcast_convert_type3A_486, %and3A_492 : vector<16xi32>
      %bitcast_convert_type3A_494 = tpu.bitcast %and3A_493 : vector<16xi32> -> vector<16xf32>
      %get3A_495 = arith.constant 17 : i32
      %get3A_496 = arith.index_cast %get3A_495 : i32 to index
      %get3A_497 = arith.constant 0 : index
      %get3A_498 = tpu.vector_load %arg10[%get3A_496, %get3A_497] {strides = array<i32>} : memref<48x16xi32, #tpu.memory_space<vmem>>, vector<16xi32>,
      tpu.vector_store_idx %arg12[%get3A_498], %bitcast_convert_type3A_490 {add = true} : memref<1024xf32, #tpu.memory_space<vmem>>[vector<16xi32>], vector<16xf32>,
      %get3A_499 = arith.constant 25 : i32
      %get3A_500 = arith.index_cast %get3A_499 : i32 to index
      %get3A_501 = arith.constant 0 : index
      %get3A_502 = tpu.vector_load %arg10[%get3A_500, %get3A_501] {strides = array<i32>} : memref<48x16xi32, #tpu.memory_space<vmem>>, vector<16xi32>,
      tpu.vector_store_idx %arg12[%get3A_502], %bitcast_convert_type3A_494 {add = true} : memref<1024xf32, #tpu.memory_space<vmem>>[vector<16xi32>], vector<16xf32>,
      %mul3A_503 = arith.constant 3 : i32
      %mul3A_504 = arith.muli %rem3A_201, %mul3A_503 : i32
      %add3A_505 = arith.constant 1 : i32
      %add3A_506 = arith.addi %mul3A_504, %add3A_505 : i32
      %mul3A_507 = arith.constant 128 : i32
      %mul3A_508 = arith.muli %add3A_506, %mul3A_507 : i32
      %add3A_509 = arith.constant 32 : i32
      %add3A_510 = arith.addi %mul3A_508, %add3A_509 : i32
      %get3A_511 = arith.index_cast %add3A_510 : i32 to index
      %get3A_512 = tpu.vector_load %arg11[%get3A_511] {strides = array<i32>} : memref<3072xf32, #tpu.memory_space<vmem>>, vector<16xf32>,
      %bitcast_convert_type3A_513 = tpu.bitcast %get3A_512 : vector<16xf32> -> vector<16xi32>
      %shift_left3A_514 = arith.constant 16 : i32
      %shift_left3A_515 = vector.broadcast %shift_left3A_514 : i32 to vector<16xi32>
      %shift_left3A_516 = arith.shli %bitcast_convert_type3A_513, %shift_left3A_515 : vector<16xi32>
      %bitcast_convert_type3A_517 = tpu.bitcast %shift_left3A_516 : vector<16xi32> -> vector<16xf32>
      %and3A_518 = arith.constant -65536 : i32
      %and3A_519 = vector.broadcast %and3A_518 : i32 to vector<16xi32>
      %and3A_520 = arith.andi %bitcast_convert_type3A_513, %and3A_519 : vector<16xi32>
      %bitcast_convert_type3A_521 = tpu.bitcast %and3A_520 : vector<16xi32> -> vector<16xf32>
      %get3A_522 = arith.constant 18 : i32
      %get3A_523 = arith.index_cast %get3A_522 : i32 to index
      %get3A_524 = arith.constant 0 : index
      %get3A_525 = tpu.vector_load %arg10[%get3A_523, %get3A_524] {strides = array<i32>} : memref<48x16xi32, #tpu.memory_space<vmem>>, vector<16xi32>,
      tpu.vector_store_idx %arg12[%get3A_525], %bitcast_convert_type3A_517 {add = true} : memref<1024xf32, #tpu.memory_space<vmem>>[vector<16xi32>], vector<16xf32>,
      %get3A_526 = arith.constant 26 : i32
      %get3A_527 = arith.index_cast %get3A_526 : i32 to index
      %get3A_528 = arith.constant 0 : index
      %get3A_529 = tpu.vector_load %arg10[%get3A_527, %get3A_528] {strides = array<i32>} : memref<48x16xi32, #tpu.memory_space<vmem>>, vector<16xi32>,
      tpu.vector_store_idx %arg12[%get3A_529], %bitcast_convert_type3A_521 {add = true} : memref<1024xf32, #tpu.memory_space<vmem>>[vector<16xi32>], vector<16xf32>,
      %mul3A_530 = arith.constant 3 : i32
      %mul3A_531 = arith.muli %rem3A_201, %mul3A_530 : i32
      %add3A_532 = arith.constant 1 : i32
      %add3A_533 = arith.addi %mul3A_531, %add3A_532 : i32
      %mul3A_534 = arith.constant 128 : i32
      %mul3A_535 = arith.muli %add3A_533, %mul3A_534 : i32
      %add3A_536 = arith.constant 48 : i32
      %add3A_537 = arith.addi %mul3A_535, %add3A_536 : i32
      %get3A_538 = arith.index_cast %add3A_537 : i32 to index
      %get3A_539 = tpu.vector_load %arg11[%get3A_538] {strides = array<i32>} : memref<3072xf32, #tpu.memory_space<vmem>>, vector<16xf32>,
      %bitcast_convert_type3A_540 = tpu.bitcast %get3A_539 : vector<16xf32> -> vector<16xi32>
      %shift_left3A_541 = arith.constant 16 : i32
      %shift_left3A_542 = vector.broadcast %shift_left3A_541 : i32 to vector<16xi32>
      %shift_left3A_543 = arith.shli %bitcast_convert_type3A_540, %shift_left3A_542 : vector<16xi32>
      %bitcast_convert_type3A_544 = tpu.bitcast %shift_left3A_543 : vector<16xi32> -> vector<16xf32>
      %and3A_545 = arith.constant -65536 : i32
      %and3A_546 = vector.broadcast %and3A_545 : i32 to vector<16xi32>
      %and3A_547 = arith.andi %bitcast_convert_type3A_540, %and3A_546 : vector<16xi32>
      %bitcast_convert_type3A_548 = tpu.bitcast %and3A_547 : vector<16xi32> -> vector<16xf32>
      %get3A_549 = arith.constant 19 : i32
      %get3A_550 = arith.index_cast %get3A_549 : i32 to index
      %get3A_551 = arith.constant 0 : index
      %get3A_552 = tpu.vector_load %arg10[%get3A_550, %get3A_551] {strides = array<i32>} : memref<48x16xi32, #tpu.memory_space<vmem>>, vector<16xi32>,
      tpu.vector_store_idx %arg12[%get3A_552], %bitcast_convert_type3A_544 {add = true} : memref<1024xf32, #tpu.memory_space<vmem>>[vector<16xi32>], vector<16xf32>,
      %get3A_553 = arith.constant 27 : i32
      %get3A_554 = arith.index_cast %get3A_553 : i32 to index
      %get3A_555 = arith.constant 0 : index
      %get3A_556 = tpu.vector_load %arg10[%get3A_554, %get3A_555] {strides = array<i32>} : memref<48x16xi32, #tpu.memory_space<vmem>>, vector<16xi32>,
      tpu.vector_store_idx %arg12[%get3A_556], %bitcast_convert_type3A_548 {add = true} : memref<1024xf32, #tpu.memory_space<vmem>>[vector<16xi32>], vector<16xf32>,
      %mul3A_557 = arith.constant 3 : i32
      %mul3A_558 = arith.muli %rem3A_201, %mul3A_557 : i32
      %add3A_559 = arith.constant 1 : i32
      %add3A_560 = arith.addi %mul3A_558, %add3A_559 : i32
      %mul3A_561 = arith.constant 128 : i32
      %mul3A_562 = arith.muli %add3A_560, %mul3A_561 : i32
      %add3A_563 = arith.constant 64 : i32
      %add3A_564 = arith.addi %mul3A_562, %add3A_563 : i32
      %get3A_565 = arith.index_cast %add3A_564 : i32 to index
      %get3A_566 = tpu.vector_load %arg11[%get3A_565] {strides = array<i32>} : memref<3072xf32, #tpu.memory_space<vmem>>, vector<16xf32>,
      %bitcast_convert_type3A_567 = tpu.bitcast %get3A_566 : vector<16xf32> -> vector<16xi32>
      %shift_left3A_568 = arith.constant 16 : i32
      %shift_left3A_569 = vector.broadcast %shift_left3A_568 : i32 to vector<16xi32>
      %shift_left3A_570 = arith.shli %bitcast_convert_type3A_567, %shift_left3A_569 : vector<16xi32>
      %bitcast_convert_type3A_571 = tpu.bitcast %shift_left3A_570 : vector<16xi32> -> vector<16xf32>
      %and3A_572 = arith.constant -65536 : i32
      %and3A_573 = vector.broadcast %and3A_572 : i32 to vector<16xi32>
      %and3A_574 = arith.andi %bitcast_convert_type3A_567, %and3A_573 : vector<16xi32>
      %bitcast_convert_type3A_575 = tpu.bitcast %and3A_574 : vector<16xi32> -> vector<16xf32>
      %get3A_576 = arith.constant 20 : i32
      %get3A_577 = arith.index_cast %get3A_576 : i32 to index
      %get3A_578 = arith.constant 0 : index
      %get3A_579 = tpu.vector_load %arg10[%get3A_577, %get3A_578] {strides = array<i32>} : memref<48x16xi32, #tpu.memory_space<vmem>>, vector<16xi32>,
      tpu.vector_store_idx %arg12[%get3A_579], %bitcast_convert_type3A_571 {add = true} : memref<1024xf32, #tpu.memory_space<vmem>>[vector<16xi32>], vector<16xf32>,
      %get3A_580 = arith.constant 28 : i32
      %get3A_581 = arith.index_cast %get3A_580 : i32 to index
      %get3A_582 = arith.constant 0 : index
      %get3A_583 = tpu.vector_load %arg10[%get3A_581, %get3A_582] {strides = array<i32>} : memref<48x16xi32, #tpu.memory_space<vmem>>, vector<16xi32>,
      tpu.vector_store_idx %arg12[%get3A_583], %bitcast_convert_type3A_575 {add = true} : memref<1024xf32, #tpu.memory_space<vmem>>[vector<16xi32>], vector<16xf32>,
      %mul3A_584 = arith.constant 3 : i32
      %mul3A_585 = arith.muli %rem3A_201, %mul3A_584 : i32
      %add3A_586 = arith.constant 1 : i32
      %add3A_587 = arith.addi %mul3A_585, %add3A_586 : i32
      %mul3A_588 = arith.constant 128 : i32
      %mul3A_589 = arith.muli %add3A_587, %mul3A_588 : i32
      %add3A_590 = arith.constant 80 : i32
      %add3A_591 = arith.addi %mul3A_589, %add3A_590 : i32
      %get3A_592 = arith.index_cast %add3A_591 : i32 to index
      %get3A_593 = tpu.vector_load %arg11[%get3A_592] {strides = array<i32>} : memref<3072xf32, #tpu.memory_space<vmem>>, vector<16xf32>,
      %bitcast_convert_type3A_594 = tpu.bitcast %get3A_593 : vector<16xf32> -> vector<16xi32>
      %shift_left3A_595 = arith.constant 16 : i32
      %shift_left3A_596 = vector.broadcast %shift_left3A_595 : i32 to vector<16xi32>
      %shift_left3A_597 = arith.shli %bitcast_convert_type3A_594, %shift_left3A_596 : vector<16xi32>
      %bitcast_convert_type3A_598 = tpu.bitcast %shift_left3A_597 : vector<16xi32> -> vector<16xf32>
      %and3A_599 = arith.constant -65536 : i32
      %and3A_600 = vector.broadcast %and3A_599 : i32 to vector<16xi32>
      %and3A_601 = arith.andi %bitcast_convert_type3A_594, %and3A_600 : vector<16xi32>
      %bitcast_convert_type3A_602 = tpu.bitcast %and3A_601 : vector<16xi32> -> vector<16xf32>
      %get3A_603 = arith.constant 21 : i32
      %get3A_604 = arith.index_cast %get3A_603 : i32 to index
      %get3A_605 = arith.constant 0 : index
      %get3A_606 = tpu.vector_load %arg10[%get3A_604, %get3A_605] {strides = array<i32>} : memref<48x16xi32, #tpu.memory_space<vmem>>, vector<16xi32>,
      tpu.vector_store_idx %arg12[%get3A_606], %bitcast_convert_type3A_598 {add = true} : memref<1024xf32, #tpu.memory_space<vmem>>[vector<16xi32>], vector<16xf32>,
      %get3A_607 = arith.constant 29 : i32
      %get3A_608 = arith.index_cast %get3A_607 : i32 to index
      %get3A_609 = arith.constant 0 : index
      %get3A_610 = tpu.vector_load %arg10[%get3A_608, %get3A_609] {strides = array<i32>} : memref<48x16xi32, #tpu.memory_space<vmem>>, vector<16xi32>,
      tpu.vector_store_idx %arg12[%get3A_610], %bitcast_convert_type3A_602 {add = true} : memref<1024xf32, #tpu.memory_space<vmem>>[vector<16xi32>], vector<16xf32>,
      %mul3A_611 = arith.constant 3 : i32
      %mul3A_612 = arith.muli %rem3A_201, %mul3A_611 : i32
      %add3A_613 = arith.constant 1 : i32
      %add3A_614 = arith.addi %mul3A_612, %add3A_613 : i32
      %mul3A_615 = arith.constant 128 : i32
      %mul3A_616 = arith.muli %add3A_614, %mul3A_615 : i32
      %add3A_617 = arith.constant 96 : i32
      %add3A_618 = arith.addi %mul3A_616, %add3A_617 : i32
      %get3A_619 = arith.index_cast %add3A_618 : i32 to index
      %get3A_620 = tpu.vector_load %arg11[%get3A_619] {strides = array<i32>} : memref<3072xf32, #tpu.memory_space<vmem>>, vector<16xf32>,
      %bitcast_convert_type3A_621 = tpu.bitcast %get3A_620 : vector<16xf32> -> vector<16xi32>
      %shift_left3A_622 = arith.constant 16 : i32
      %shift_left3A_623 = vector.broadcast %shift_left3A_622 : i32 to vector<16xi32>
      %shift_left3A_624 = arith.shli %bitcast_convert_type3A_621, %shift_left3A_623 : vector<16xi32>
      %bitcast_convert_type3A_625 = tpu.bitcast %shift_left3A_624 : vector<16xi32> -> vector<16xf32>
      %and3A_626 = arith.constant -65536 : i32
      %and3A_627 = vector.broadcast %and3A_626 : i32 to vector<16xi32>
      %and3A_628 = arith.andi %bitcast_convert_type3A_621, %and3A_627 : vector<16xi32>
      %bitcast_convert_type3A_629 = tpu.bitcast %and3A_628 : vector<16xi32> -> vector<16xf32>
      %get3A_630 = arith.constant 22 : i32
      %get3A_631 = arith.index_cast %get3A_630 : i32 to index
      %get3A_632 = arith.constant 0 : index
      %get3A_633 = tpu.vector_load %arg10[%get3A_631, %get3A_632] {strides = array<i32>} : memref<48x16xi32, #tpu.memory_space<vmem>>, vector<16xi32>,
      tpu.vector_store_idx %arg12[%get3A_633], %bitcast_convert_type3A_625 {add = true} : memref<1024xf32, #tpu.memory_space<vmem>>[vector<16xi32>], vector<16xf32>,
      %get3A_634 = arith.constant 30 : i32
      %get3A_635 = arith.index_cast %get3A_634 : i32 to index
      %get3A_636 = arith.constant 0 : index
      %get3A_637 = tpu.vector_load %arg10[%get3A_635, %get3A_636] {strides = array<i32>} : memref<48x16xi32, #tpu.memory_space<vmem>>, vector<16xi32>,
      tpu.vector_store_idx %arg12[%get3A_637], %bitcast_convert_type3A_629 {add = true} : memref<1024xf32, #tpu.memory_space<vmem>>[vector<16xi32>], vector<16xf32>,
      %mul3A_638 = arith.constant 3 : i32
      %mul3A_639 = arith.muli %rem3A_201, %mul3A_638 : i32
      %add3A_640 = arith.constant 1 : i32
      %add3A_641 = arith.addi %mul3A_639, %add3A_640 : i32
      %mul3A_642 = arith.constant 128 : i32
      %mul3A_643 = arith.muli %add3A_641, %mul3A_642 : i32
      %add3A_644 = arith.constant 112 : i32
      %add3A_645 = arith.addi %mul3A_643, %add3A_644 : i32
      %get3A_646 = arith.index_cast %add3A_645 : i32 to index
      %get3A_647 = tpu.vector_load %arg11[%get3A_646] {strides = array<i32>} : memref<3072xf32, #tpu.memory_space<vmem>>, vector<16xf32>,
      %bitcast_convert_type3A_648 = tpu.bitcast %get3A_647 : vector<16xf32> -> vector<16xi32>
      %shift_left3A_649 = arith.constant 16 : i32
      %shift_left3A_650 = vector.broadcast %shift_left3A_649 : i32 to vector<16xi32>
      %shift_left3A_651 = arith.shli %bitcast_convert_type3A_648, %shift_left3A_650 : vector<16xi32>
      %bitcast_convert_type3A_652 = tpu.bitcast %shift_left3A_651 : vector<16xi32> -> vector<16xf32>
      %and3A_653 = arith.constant -65536 : i32
      %and3A_654 = vector.broadcast %and3A_653 : i32 to vector<16xi32>
      %and3A_655 = arith.andi %bitcast_convert_type3A_648, %and3A_654 : vector<16xi32>
      %bitcast_convert_type3A_656 = tpu.bitcast %and3A_655 : vector<16xi32> -> vector<16xf32>
      %get3A_657 = arith.constant 23 : i32
      %get3A_658 = arith.index_cast %get3A_657 : i32 to index
      %get3A_659 = arith.constant 0 : index
      %get3A_660 = tpu.vector_load %arg10[%get3A_658, %get3A_659] {strides = array<i32>} : memref<48x16xi32, #tpu.memory_space<vmem>>, vector<16xi32>,
      tpu.vector_store_idx %arg12[%get3A_660], %bitcast_convert_type3A_652 {add = true} : memref<1024xf32, #tpu.memory_space<vmem>>[vector<16xi32>], vector<16xf32>,
      %get3A_661 = arith.constant 31 : i32
      %get3A_662 = arith.index_cast %get3A_661 : i32 to index
      %get3A_663 = arith.constant 0 : index
      %get3A_664 = tpu.vector_load %arg10[%get3A_662, %get3A_663] {strides = array<i32>} : memref<48x16xi32, #tpu.memory_space<vmem>>, vector<16xi32>,
      tpu.vector_store_idx %arg12[%get3A_664], %bitcast_convert_type3A_656 {add = true} : memref<1024xf32, #tpu.memory_space<vmem>>[vector<16xi32>], vector<16xf32>,
      %mul3A_665 = arith.constant 3 : i32
      %mul3A_666 = arith.muli %rem3A_201, %mul3A_665 : i32
      %add3A_667 = arith.constant 2 : i32
      %add3A_668 = arith.addi %mul3A_666, %add3A_667 : i32
      %mul3A_669 = arith.constant 128 : i32
      %mul3A_670 = arith.muli %add3A_668, %mul3A_669 : i32
      %add3A_671 = arith.constant 0 : i32
      %add3A_672 = arith.addi %mul3A_670, %add3A_671 : i32
      %get3A_673 = arith.index_cast %add3A_672 : i32 to index
      %get3A_674 = tpu.vector_load %arg11[%get3A_673] {strides = array<i32>} : memref<3072xf32, #tpu.memory_space<vmem>>, vector<16xf32>,
      %bitcast_convert_type3A_675 = tpu.bitcast %get3A_674 : vector<16xf32> -> vector<16xi32>
      %shift_left3A_676 = arith.constant 16 : i32
      %shift_left3A_677 = vector.broadcast %shift_left3A_676 : i32 to vector<16xi32>
      %shift_left3A_678 = arith.shli %bitcast_convert_type3A_675, %shift_left3A_677 : vector<16xi32>
      %bitcast_convert_type3A_679 = tpu.bitcast %shift_left3A_678 : vector<16xi32> -> vector<16xf32>
      %and3A_680 = arith.constant -65536 : i32
      %and3A_681 = vector.broadcast %and3A_680 : i32 to vector<16xi32>
      %and3A_682 = arith.andi %bitcast_convert_type3A_675, %and3A_681 : vector<16xi32>
      %bitcast_convert_type3A_683 = tpu.bitcast %and3A_682 : vector<16xi32> -> vector<16xf32>
      %get3A_684 = arith.constant 32 : i32
      %get3A_685 = arith.index_cast %get3A_684 : i32 to index
      %get3A_686 = arith.constant 0 : index
      %get3A_687 = tpu.vector_load %arg10[%get3A_685, %get3A_686] {strides = array<i32>} : memref<48x16xi32, #tpu.memory_space<vmem>>, vector<16xi32>,
      tpu.vector_store_idx %arg12[%get3A_687], %bitcast_convert_type3A_679 {add = true} : memref<1024xf32, #tpu.memory_space<vmem>>[vector<16xi32>], vector<16xf32>,
      %get3A_688 = arith.constant 40 : i32
      %get3A_689 = arith.index_cast %get3A_688 : i32 to index
      %get3A_690 = arith.constant 0 : index
      %get3A_691 = tpu.vector_load %arg10[%get3A_689, %get3A_690] {strides = array<i32>} : memref<48x16xi32, #tpu.memory_space<vmem>>, vector<16xi32>,
      tpu.vector_store_idx %arg12[%get3A_691], %bitcast_convert_type3A_683 {add = true} : memref<1024xf32, #tpu.memory_space<vmem>>[vector<16xi32>], vector<16xf32>,
      %mul3A_692 = arith.constant 3 : i32
      %mul3A_693 = arith.muli %rem3A_201, %mul3A_692 : i32
      %add3A_694 = arith.constant 2 : i32
      %add3A_695 = arith.addi %mul3A_693, %add3A_694 : i32
      %mul3A_696 = arith.constant 128 : i32
      %mul3A_697 = arith.muli %add3A_695, %mul3A_696 : i32
      %add3A_698 = arith.constant 16 : i32
      %add3A_699 = arith.addi %mul3A_697, %add3A_698 : i32
      %get3A_700 = arith.index_cast %add3A_699 : i32 to index
      %get3A_701 = tpu.vector_load %arg11[%get3A_700] {strides = array<i32>} : memref<3072xf32, #tpu.memory_space<vmem>>, vector<16xf32>,
      %bitcast_convert_type3A_702 = tpu.bitcast %get3A_701 : vector<16xf32> -> vector<16xi32>
      %shift_left3A_703 = arith.constant 16 : i32
      %shift_left3A_704 = vector.broadcast %shift_left3A_703 : i32 to vector<16xi32>
      %shift_left3A_705 = arith.shli %bitcast_convert_type3A_702, %shift_left3A_704 : vector<16xi32>
      %bitcast_convert_type3A_706 = tpu.bitcast %shift_left3A_705 : vector<16xi32> -> vector<16xf32>
      %and3A_707 = arith.constant -65536 : i32
      %and3A_708 = vector.broadcast %and3A_707 : i32 to vector<16xi32>
      %and3A_709 = arith.andi %bitcast_convert_type3A_702, %and3A_708 : vector<16xi32>
      %bitcast_convert_type3A_710 = tpu.bitcast %and3A_709 : vector<16xi32> -> vector<16xf32>
      %get3A_711 = arith.constant 33 : i32
      %get3A_712 = arith.index_cast %get3A_711 : i32 to index
      %get3A_713 = arith.constant 0 : index
      %get3A_714 = tpu.vector_load %arg10[%get3A_712, %get3A_713] {strides = array<i32>} : memref<48x16xi32, #tpu.memory_space<vmem>>, vector<16xi32>,
      tpu.vector_store_idx %arg12[%get3A_714], %bitcast_convert_type3A_706 {add = true} : memref<1024xf32, #tpu.memory_space<vmem>>[vector<16xi32>], vector<16xf32>,
      %get3A_715 = arith.constant 41 : i32
      %get3A_716 = arith.index_cast %get3A_715 : i32 to index
      %get3A_717 = arith.constant 0 : index
      %get3A_718 = tpu.vector_load %arg10[%get3A_716, %get3A_717] {strides = array<i32>} : memref<48x16xi32, #tpu.memory_space<vmem>>, vector<16xi32>,
      tpu.vector_store_idx %arg12[%get3A_718], %bitcast_convert_type3A_710 {add = true} : memref<1024xf32, #tpu.memory_space<vmem>>[vector<16xi32>], vector<16xf32>,
      %mul3A_719 = arith.constant 3 : i32
      %mul3A_720 = arith.muli %rem3A_201, %mul3A_719 : i32
      %add3A_721 = arith.constant 2 : i32
      %add3A_722 = arith.addi %mul3A_720, %add3A_721 : i32
      %mul3A_723 = arith.constant 128 : i32
      %mul3A_724 = arith.muli %add3A_722, %mul3A_723 : i32
      %add3A_725 = arith.constant 32 : i32
      %add3A_726 = arith.addi %mul3A_724, %add3A_725 : i32
      %get3A_727 = arith.index_cast %add3A_726 : i32 to index
      %get3A_728 = tpu.vector_load %arg11[%get3A_727] {strides = array<i32>} : memref<3072xf32, #tpu.memory_space<vmem>>, vector<16xf32>,
      %bitcast_convert_type3A_729 = tpu.bitcast %get3A_728 : vector<16xf32> -> vector<16xi32>
      %shift_left3A_730 = arith.constant 16 : i32
      %shift_left3A_731 = vector.broadcast %shift_left3A_730 : i32 to vector<16xi32>
      %shift_left3A_732 = arith.shli %bitcast_convert_type3A_729, %shift_left3A_731 : vector<16xi32>
      %bitcast_convert_type3A_733 = tpu.bitcast %shift_left3A_732 : vector<16xi32> -> vector<16xf32>
      %and3A_734 = arith.constant -65536 : i32
      %and3A_735 = vector.broadcast %and3A_734 : i32 to vector<16xi32>
      %and3A_736 = arith.andi %bitcast_convert_type3A_729, %and3A_735 : vector<16xi32>
      %bitcast_convert_type3A_737 = tpu.bitcast %and3A_736 : vector<16xi32> -> vector<16xf32>
      %get3A_738 = arith.constant 34 : i32
      %get3A_739 = arith.index_cast %get3A_738 : i32 to index
      %get3A_740 = arith.constant 0 : index
      %get3A_741 = tpu.vector_load %arg10[%get3A_739, %get3A_740] {strides = array<i32>} : memref<48x16xi32, #tpu.memory_space<vmem>>, vector<16xi32>,
      tpu.vector_store_idx %arg12[%get3A_741], %bitcast_convert_type3A_733 {add = true} : memref<1024xf32, #tpu.memory_space<vmem>>[vector<16xi32>], vector<16xf32>,
      %get3A_742 = arith.constant 42 : i32
      %get3A_743 = arith.index_cast %get3A_742 : i32 to index
      %get3A_744 = arith.constant 0 : index
      %get3A_745 = tpu.vector_load %arg10[%get3A_743, %get3A_744] {strides = array<i32>} : memref<48x16xi32, #tpu.memory_space<vmem>>, vector<16xi32>,
      tpu.vector_store_idx %arg12[%get3A_745], %bitcast_convert_type3A_737 {add = true} : memref<1024xf32, #tpu.memory_space<vmem>>[vector<16xi32>], vector<16xf32>,
      %mul3A_746 = arith.constant 3 : i32
      %mul3A_747 = arith.muli %rem3A_201, %mul3A_746 : i32
      %add3A_748 = arith.constant 2 : i32
      %add3A_749 = arith.addi %mul3A_747, %add3A_748 : i32
      %mul3A_750 = arith.constant 128 : i32
      %mul3A_751 = arith.muli %add3A_749, %mul3A_750 : i32
      %add3A_752 = arith.constant 48 : i32
      %add3A_753 = arith.addi %mul3A_751, %add3A_752 : i32
      %get3A_754 = arith.index_cast %add3A_753 : i32 to index
      %get3A_755 = tpu.vector_load %arg11[%get3A_754] {strides = array<i32>} : memref<3072xf32, #tpu.memory_space<vmem>>, vector<16xf32>,
      %bitcast_convert_type3A_756 = tpu.bitcast %get3A_755 : vector<16xf32> -> vector<16xi32>
      %shift_left3A_757 = arith.constant 16 : i32
      %shift_left3A_758 = vector.broadcast %shift_left3A_757 : i32 to vector<16xi32>
      %shift_left3A_759 = arith.shli %bitcast_convert_type3A_756, %shift_left3A_758 : vector<16xi32>
      %bitcast_convert_type3A_760 = tpu.bitcast %shift_left3A_759 : vector<16xi32> -> vector<16xf32>
      %and3A_761 = arith.constant -65536 : i32
      %and3A_762 = vector.broadcast %and3A_761 : i32 to vector<16xi32>
      %and3A_763 = arith.andi %bitcast_convert_type3A_756, %and3A_762 : vector<16xi32>
      %bitcast_convert_type3A_764 = tpu.bitcast %and3A_763 : vector<16xi32> -> vector<16xf32>
      %get3A_765 = arith.constant 35 : i32
      %get3A_766 = arith.index_cast %get3A_765 : i32 to index
      %get3A_767 = arith.constant 0 : index
      %get3A_768 = tpu.vector_load %arg10[%get3A_766, %get3A_767] {strides = array<i32>} : memref<48x16xi32, #tpu.memory_space<vmem>>, vector<16xi32>,
      tpu.vector_store_idx %arg12[%get3A_768], %bitcast_convert_type3A_760 {add = true} : memref<1024xf32, #tpu.memory_space<vmem>>[vector<16xi32>], vector<16xf32>,
      %get3A_769 = arith.constant 43 : i32
      %get3A_770 = arith.index_cast %get3A_769 : i32 to index
      %get3A_771 = arith.constant 0 : index
      %get3A_772 = tpu.vector_load %arg10[%get3A_770, %get3A_771] {strides = array<i32>} : memref<48x16xi32, #tpu.memory_space<vmem>>, vector<16xi32>,
      tpu.vector_store_idx %arg12[%get3A_772], %bitcast_convert_type3A_764 {add = true} : memref<1024xf32, #tpu.memory_space<vmem>>[vector<16xi32>], vector<16xf32>,
      %mul3A_773 = arith.constant 3 : i32
      %mul3A_774 = arith.muli %rem3A_201, %mul3A_773 : i32
      %add3A_775 = arith.constant 2 : i32
      %add3A_776 = arith.addi %mul3A_774, %add3A_775 : i32
      %mul3A_777 = arith.constant 128 : i32
      %mul3A_778 = arith.muli %add3A_776, %mul3A_777 : i32
      %add3A_779 = arith.constant 64 : i32
      %add3A_780 = arith.addi %mul3A_778, %add3A_779 : i32
      %get3A_781 = arith.index_cast %add3A_780 : i32 to index
      %get3A_782 = tpu.vector_load %arg11[%get3A_781] {strides = array<i32>} : memref<3072xf32, #tpu.memory_space<vmem>>, vector<16xf32>,
      %bitcast_convert_type3A_783 = tpu.bitcast %get3A_782 : vector<16xf32> -> vector<16xi32>
      %shift_left3A_784 = arith.constant 16 : i32
      %shift_left3A_785 = vector.broadcast %shift_left3A_784 : i32 to vector<16xi32>
      %shift_left3A_786 = arith.shli %bitcast_convert_type3A_783, %shift_left3A_785 : vector<16xi32>
      %bitcast_convert_type3A_787 = tpu.bitcast %shift_left3A_786 : vector<16xi32> -> vector<16xf32>
      %and3A_788 = arith.constant -65536 : i32
      %and3A_789 = vector.broadcast %and3A_788 : i32 to vector<16xi32>
      %and3A_790 = arith.andi %bitcast_convert_type3A_783, %and3A_789 : vector<16xi32>
      %bitcast_convert_type3A_791 = tpu.bitcast %and3A_790 : vector<16xi32> -> vector<16xf32>
      %get3A_792 = arith.constant 36 : i32
      %get3A_793 = arith.index_cast %get3A_792 : i32 to index
      %get3A_794 = arith.constant 0 : index
      %get3A_795 = tpu.vector_load %arg10[%get3A_793, %get3A_794] {strides = array<i32>} : memref<48x16xi32, #tpu.memory_space<vmem>>, vector<16xi32>,
      tpu.vector_store_idx %arg12[%get3A_795], %bitcast_convert_type3A_787 {add = true} : memref<1024xf32, #tpu.memory_space<vmem>>[vector<16xi32>], vector<16xf32>,
      %get3A_796 = arith.constant 44 : i32
      %get3A_797 = arith.index_cast %get3A_796 : i32 to index
      %get3A_798 = arith.constant 0 : index
      %get3A_799 = tpu.vector_load %arg10[%get3A_797, %get3A_798] {strides = array<i32>} : memref<48x16xi32, #tpu.memory_space<vmem>>, vector<16xi32>,
      tpu.vector_store_idx %arg12[%get3A_799], %bitcast_convert_type3A_791 {add = true} : memref<1024xf32, #tpu.memory_space<vmem>>[vector<16xi32>], vector<16xf32>,
      %mul3A_800 = arith.constant 3 : i32
      %mul3A_801 = arith.muli %rem3A_201, %mul3A_800 : i32
      %add3A_802 = arith.constant 2 : i32
      %add3A_803 = arith.addi %mul3A_801, %add3A_802 : i32
      %mul3A_804 = arith.constant 128 : i32
      %mul3A_805 = arith.muli %add3A_803, %mul3A_804 : i32
      %add3A_806 = arith.constant 80 : i32
      %add3A_807 = arith.addi %mul3A_805, %add3A_806 : i32
      %get3A_808 = arith.index_cast %add3A_807 : i32 to index
      %get3A_809 = tpu.vector_load %arg11[%get3A_808] {strides = array<i32>} : memref<3072xf32, #tpu.memory_space<vmem>>, vector<16xf32>,
      %bitcast_convert_type3A_810 = tpu.bitcast %get3A_809 : vector<16xf32> -> vector<16xi32>
      %shift_left3A_811 = arith.constant 16 : i32
      %shift_left3A_812 = vector.broadcast %shift_left3A_811 : i32 to vector<16xi32>
      %shift_left3A_813 = arith.shli %bitcast_convert_type3A_810, %shift_left3A_812 : vector<16xi32>
      %bitcast_convert_type3A_814 = tpu.bitcast %shift_left3A_813 : vector<16xi32> -> vector<16xf32>
      %and3A_815 = arith.constant -65536 : i32
      %and3A_816 = vector.broadcast %and3A_815 : i32 to vector<16xi32>
      %and3A_817 = arith.andi %bitcast_convert_type3A_810, %and3A_816 : vector<16xi32>
      %bitcast_convert_type3A_818 = tpu.bitcast %and3A_817 : vector<16xi32> -> vector<16xf32>
      %get3A_819 = arith.constant 37 : i32
      %get3A_820 = arith.index_cast %get3A_819 : i32 to index
      %get3A_821 = arith.constant 0 : index
      %get3A_822 = tpu.vector_load %arg10[%get3A_820, %get3A_821] {strides = array<i32>} : memref<48x16xi32, #tpu.memory_space<vmem>>, vector<16xi32>,
      tpu.vector_store_idx %arg12[%get3A_822], %bitcast_convert_type3A_814 {add = true} : memref<1024xf32, #tpu.memory_space<vmem>>[vector<16xi32>], vector<16xf32>,
      %get3A_823 = arith.constant 45 : i32
      %get3A_824 = arith.index_cast %get3A_823 : i32 to index
      %get3A_825 = arith.constant 0 : index
      %get3A_826 = tpu.vector_load %arg10[%get3A_824, %get3A_825] {strides = array<i32>} : memref<48x16xi32, #tpu.memory_space<vmem>>, vector<16xi32>,
      tpu.vector_store_idx %arg12[%get3A_826], %bitcast_convert_type3A_818 {add = true} : memref<1024xf32, #tpu.memory_space<vmem>>[vector<16xi32>], vector<16xf32>,
      %mul3A_827 = arith.constant 3 : i32
      %mul3A_828 = arith.muli %rem3A_201, %mul3A_827 : i32
      %add3A_829 = arith.constant 2 : i32
      %add3A_830 = arith.addi %mul3A_828, %add3A_829 : i32
      %mul3A_831 = arith.constant 128 : i32
      %mul3A_832 = arith.muli %add3A_830, %mul3A_831 : i32
      %add3A_833 = arith.constant 96 : i32
      %add3A_834 = arith.addi %mul3A_832, %add3A_833 : i32
      %get3A_835 = arith.index_cast %add3A_834 : i32 to index
      %get3A_836 = tpu.vector_load %arg11[%get3A_835] {strides = array<i32>} : memref<3072xf32, #tpu.memory_space<vmem>>, vector<16xf32>,
      %bitcast_convert_type3A_837 = tpu.bitcast %get3A_836 : vector<16xf32> -> vector<16xi32>
      %shift_left3A_838 = arith.constant 16 : i32
      %shift_left3A_839 = vector.broadcast %shift_left3A_838 : i32 to vector<16xi32>
      %shift_left3A_840 = arith.shli %bitcast_convert_type3A_837, %shift_left3A_839 : vector<16xi32>
      %bitcast_convert_type3A_841 = tpu.bitcast %shift_left3A_840 : vector<16xi32> -> vector<16xf32>
      %and3A_842 = arith.constant -65536 : i32
      %and3A_843 = vector.broadcast %and3A_842 : i32 to vector<16xi32>
      %and3A_844 = arith.andi %bitcast_convert_type3A_837, %and3A_843 : vector<16xi32>
      %bitcast_convert_type3A_845 = tpu.bitcast %and3A_844 : vector<16xi32> -> vector<16xf32>
      %get3A_846 = arith.constant 38 : i32
      %get3A_847 = arith.index_cast %get3A_846 : i32 to index
      %get3A_848 = arith.constant 0 : index
      %get3A_849 = tpu.vector_load %arg10[%get3A_847, %get3A_848] {strides = array<i32>} : memref<48x16xi32, #tpu.memory_space<vmem>>, vector<16xi32>,
      tpu.vector_store_idx %arg12[%get3A_849], %bitcast_convert_type3A_841 {add = true} : memref<1024xf32, #tpu.memory_space<vmem>>[vector<16xi32>], vector<16xf32>,
      %get3A_850 = arith.constant 46 : i32
      %get3A_851 = arith.index_cast %get3A_850 : i32 to index
      %get3A_852 = arith.constant 0 : index
      %get3A_853 = tpu.vector_load %arg10[%get3A_851, %get3A_852] {strides = array<i32>} : memref<48x16xi32, #tpu.memory_space<vmem>>, vector<16xi32>,
      tpu.vector_store_idx %arg12[%get3A_853], %bitcast_convert_type3A_845 {add = true} : memref<1024xf32, #tpu.memory_space<vmem>>[vector<16xi32>], vector<16xf32>,
      %mul3A_854 = arith.constant 3 : i32
      %mul3A_855 = arith.muli %rem3A_201, %mul3A_854 : i32
      %add3A_856 = arith.constant 2 : i32
      %add3A_857 = arith.addi %mul3A_855, %add3A_856 : i32
      %mul3A_858 = arith.constant 128 : i32
      %mul3A_859 = arith.muli %add3A_857, %mul3A_858 : i32
      %add3A_860 = arith.constant 112 : i32
      %add3A_861 = arith.addi %mul3A_859, %add3A_860 : i32
      %get3A_862 = arith.index_cast %add3A_861 : i32 to index
      %get3A_863 = tpu.vector_load %arg11[%get3A_862] {strides = array<i32>} : memref<3072xf32, #tpu.memory_space<vmem>>, vector<16xf32>,
      %bitcast_convert_type3A_864 = tpu.bitcast %get3A_863 : vector<16xf32> -> vector<16xi32>
      %shift_left3A_865 = arith.constant 16 : i32
      %shift_left3A_866 = vector.broadcast %shift_left3A_865 : i32 to vector<16xi32>
      %shift_left3A_867 = arith.shli %bitcast_convert_type3A_864, %shift_left3A_866 : vector<16xi32>
      %bitcast_convert_type3A_868 = tpu.bitcast %shift_left3A_867 : vector<16xi32> -> vector<16xf32>
      %and3A_869 = arith.constant -65536 : i32
      %and3A_870 = vector.broadcast %and3A_869 : i32 to vector<16xi32>
      %and3A_871 = arith.andi %bitcast_convert_type3A_864, %and3A_870 : vector<16xi32>
      %bitcast_convert_type3A_872 = tpu.bitcast %and3A_871 : vector<16xi32> -> vector<16xf32>
      %get3A_873 = arith.constant 39 : i32
      %get3A_874 = arith.index_cast %get3A_873 : i32 to index
      %get3A_875 = arith.constant 0 : index
      %get3A_876 = tpu.vector_load %arg10[%get3A_874, %get3A_875] {strides = array<i32>} : memref<48x16xi32, #tpu.memory_space<vmem>>, vector<16xi32>,
      tpu.vector_store_idx %arg12[%get3A_876], %bitcast_convert_type3A_868 {add = true} : memref<1024xf32, #tpu.memory_space<vmem>>[vector<16xi32>], vector<16xf32>,
      %get3A_877 = arith.constant 47 : i32
      %get3A_878 = arith.index_cast %get3A_877 : i32 to index
      %get3A_879 = arith.constant 0 : index
      %get3A_880 = tpu.vector_load %arg10[%get3A_878, %get3A_879] {strides = array<i32>} : memref<48x16xi32, #tpu.memory_space<vmem>>, vector<16xi32>,
      tpu.vector_store_idx %arg12[%get3A_880], %bitcast_convert_type3A_872 {add = true} : memref<1024xf32, #tpu.memory_space<vmem>>[vector<16xi32>], vector<16xf32>,
      %add3A_881 = arith.constant 8 : i32
      %add3A_882 = arith.addi %scan3A_200, %add3A_881 : i32
      %lt3A = arith.constant 50 : i32
      %lt3A_883 = arith.cmpi slt, %add3A_882, %lt3A : i32
      %convert_element_type3A = arith.extui %lt3A_883 : i1 to i32
      %cond3A = arith.constant 0 : i32
      %cond3A_884 = arith.cmpi ne, %convert_element_type3A, %cond3A : i32
      scf.if %cond3A_884 {
        %mul3A_885 = arith.constant 3 : i32
        %mul3A_886 = arith.muli %rem3A_201, %mul3A_885 : i32
        %add3A_887 = arith.constant 0 : i32
        %add3A_888 = arith.addi %mul3A_886, %add3A_887 : i32
        %mul3A_889 = arith.constant 128 : i32
        %mul3A_890 = arith.muli %add3A_888, %mul3A_889 : i32
        %dma_start3A_891 = tpu.memref_slice %arg11[%mul3A_890] : memref<3072xf32, #tpu.memory_space<vmem>> -> memref<128xf32, #tpu.memory_space<vmem>>
        %dma_start3A_892 = arith.constant 0 : i32
        %dma_start3A_893 = tpu.memref_slice %arg9[%add3A_882, %dma_start3A_892] : memref<50x128xi32, #tpu.memory_space<vmem>> -> memref<1x128xi32, #tpu.memory_space<vmem>>
        %dma_start3A_894 = tpu.memref_squeeze %dma_start3A_893 : memref<1x128xi32, #tpu.memory_space<vmem>> -> memref<128xi32, #tpu.memory_space<vmem>>
        %dma_start3A_895 = arith.constant 0 : i32
        %dma_start3A_896 = tpu.memref_slice %arg5[%dma_start3A_895] : memref<1000000xf32, #tpu.memory_space<hbm>> -> memref<1000000xf32, #tpu.memory_space<hbm>>
        tpu.enqueue_indirect_dma source(%dma_start3A_896 : memref<1000000xf32, #tpu.memory_space<hbm>>) target(%dma_start3A_891 : memref<128xf32, #tpu.memory_space<vmem>>) offsets(%dma_start3A_894 : memref<128xi32, #tpu.memory_space<vmem>>) semaphore(%arg13 : memref<!tpu.dma_semaphore, #tpu.memory_space<semaphore_mem>>)
        %mul3A_897 = arith.constant 3 : i32
        %mul3A_898 = arith.muli %rem3A_201, %mul3A_897 : i32
        %add3A_899 = arith.constant 1 : i32
        %add3A_900 = arith.addi %mul3A_898, %add3A_899 : i32
        %mul3A_901 = arith.constant 128 : i32
        %mul3A_902 = arith.muli %add3A_900, %mul3A_901 : i32
        %dma_start3A_903 = tpu.memref_slice %arg11[%mul3A_902] : memref<3072xf32, #tpu.memory_space<vmem>> -> memref<128xf32, #tpu.memory_space<vmem>>
        %dma_start3A_904 = arith.constant 0 : i32
        %dma_start3A_905 = tpu.memref_slice %arg9[%add3A_882, %dma_start3A_904] : memref<50x128xi32, #tpu.memory_space<vmem>> -> memref<1x128xi32, #tpu.memory_space<vmem>>
        %dma_start3A_906 = tpu.memref_squeeze %dma_start3A_905 : memref<1x128xi32, #tpu.memory_space<vmem>> -> memref<128xi32, #tpu.memory_space<vmem>>
        %dma_start3A_907 = arith.constant 0 : i32
        %dma_start3A_908 = tpu.memref_slice %arg6[%dma_start3A_907] : memref<1000000xf32, #tpu.memory_space<hbm>> -> memref<1000000xf32, #tpu.memory_space<hbm>>
        tpu.enqueue_indirect_dma source(%dma_start3A_908 : memref<1000000xf32, #tpu.memory_space<hbm>>) target(%dma_start3A_903 : memref<128xf32, #tpu.memory_space<vmem>>) offsets(%dma_start3A_906 : memref<128xi32, #tpu.memory_space<vmem>>) semaphore(%arg13 : memref<!tpu.dma_semaphore, #tpu.memory_space<semaphore_mem>>)
        %mul3A_909 = arith.constant 3 : i32
        %mul3A_910 = arith.muli %rem3A_201, %mul3A_909 : i32
        %add3A_911 = arith.constant 2 : i32
        %add3A_912 = arith.addi %mul3A_910, %add3A_911 : i32
        %mul3A_913 = arith.constant 128 : i32
        %mul3A_914 = arith.muli %add3A_912, %mul3A_913 : i32
        %dma_start3A_915 = tpu.memref_slice %arg11[%mul3A_914] : memref<3072xf32, #tpu.memory_space<vmem>> -> memref<128xf32, #tpu.memory_space<vmem>>
        %dma_start3A_916 = arith.constant 0 : i32
        %dma_start3A_917 = tpu.memref_slice %arg9[%add3A_882, %dma_start3A_916] : memref<50x128xi32, #tpu.memory_space<vmem>> -> memref<1x128xi32, #tpu.memory_space<vmem>>
        %dma_start3A_918 = tpu.memref_squeeze %dma_start3A_917 : memref<1x128xi32, #tpu.memory_space<vmem>> -> memref<128xi32, #tpu.memory_space<vmem>>
        %dma_start3A_919 = arith.constant 0 : i32
        %dma_start3A_920 = tpu.memref_slice %arg7[%dma_start3A_919] : memref<1000000xf32, #tpu.memory_space<hbm>> -> memref<1000000xf32, #tpu.memory_space<hbm>>
        tpu.enqueue_indirect_dma source(%dma_start3A_920 : memref<1000000xf32, #tpu.memory_space<hbm>>) target(%dma_start3A_915 : memref<128xf32, #tpu.memory_space<vmem>>) offsets(%dma_start3A_918 : memref<128xi32, #tpu.memory_space<vmem>>) semaphore(%arg13 : memref<!tpu.dma_semaphore, #tpu.memory_space<semaphore_mem>>)
      } else {
      }
    }
    %scan3A_195 = arith.constant 50 : i32
    %mul3A_196 = arith.constant 128 : i32
    %mul3A_197 = arith.muli %add3A, %mul3A_196 : i32
    %mul3A_198 = arith.constant 8 : i32
    %mul3A_199 = arith.muli %mul3A_197, %mul3A_198 : i32
    "tpu.region"() ({
      %run_scoped3A = tpu.sem_alloc : memref<!tpu.dma_semaphore, #tpu.memory_space<semaphore_mem>>
      %dma_start3A_200 = tpu.memref_slice %arg8[%mul3A_199] : memref<32768xf32, #tpu.memory_space<hbm>> -> memref<1024xf32, #tpu.memory_space<hbm>>
      %dma_start3A_201 = tpu.memref_slice %arg8[%mul3A_199] : memref<32768xf32, #tpu.memory_space<hbm>> -> memref<1024xf32, #tpu.memory_space<hbm>>
      tpu.enqueue_dma source(%arg12 : memref<1024xf32, #tpu.memory_space<vmem>>) target(%dma_start3A_201 : memref<1024xf32, #tpu.memory_space<hbm>>) target_semaphore(%run_scoped3A : memref<!tpu.dma_semaphore, #tpu.memory_space<semaphore_mem>>)
      %dma_wait3A = tpu.memref_slice %arg8[%mul3A_199] : memref<32768xf32, #tpu.memory_space<hbm>> -> memref<1024xf32, #tpu.memory_space<hbm>>
      %dma_wait3A_202 = tpu.memref_slice %arg8[%mul3A_199] : memref<32768xf32, #tpu.memory_space<hbm>> -> memref<1024xf32, #tpu.memory_space<hbm>>
      tpu.wait_dma2 semaphore(%run_scoped3A : memref<!tpu.dma_semaphore, #tpu.memory_space<semaphore_mem>>) src(%arg12 : memref<1024xf32, #tpu.memory_space<vmem>>) dst(%dma_wait3A_202 : memref<1024xf32, #tpu.memory_space<hbm>>)
      tpu.yield
    }) : () -> ()
    return
  }
}

module attributes {stable_mosaic.version = 14 : i64} {
  func.func @_tw_body(%arg0: i32, %arg1: memref<8x64xf32, #tpu.memory_space<vmem>>, %arg2: memref<64x32768xf32, #tpu.memory_space<vmem>>, %arg3: memref<32768xf32, #tpu.memory_space<vmem>>, %arg4: memref<32768xf32, #tpu.memory_space<vmem>>, %arg5: memref<32768xf32, #tpu.memory_space<vmem>>) attributes {dimension_semantics = [#tpu.dimension_semantics<arbitrary>], iteration_bounds = array<i64: 31>, scalar_prefetch = 0 : i64, scratch_operands = 0 : i64, tpu.core_type = #tpu.core_type<tc>, window_params = [{pipeline_mode = #tpu.pipeline_mode<synchronous>, transform_indices = @transform_0, window_bounds = array<i64: 8, 64>}, {transform_indices = @transform_1, window_bounds = array<i64: 64, 32768>}, {transform_indices = @transform_2, window_bounds = array<i64: 32768>}, {transform_indices = @transform_3, window_bounds = array<i64: 32768>}, {transform_indices = @transform_4, window_bounds = array<i64: 32768>}]} {
    %get3A = arith.constant 0 : index
    %get3A_0 = arith.constant 0 : index
    %get3A_1 = vector.load %arg1[%get3A, %get3A_0] : memref<8x64xf32, #tpu.memory_space<vmem>>, vector<8x64xf32>
    %convert_element_type3A = arith.truncf %get3A_1 : vector<8x64xf32> to vector<8x64xbf16>
    %get3A_2 = arith.constant 0 : index
    %get3A_3 = arith.constant 0 : index
    %get3A_4 = vector.load %arg2[%get3A_2, %get3A_3] : memref<64x32768xf32, #tpu.memory_space<vmem>>, vector<64x32768xf32>
    %convert_element_type3A_5 = arith.truncf %get3A_4 : vector<64x32768xf32> to vector<64x32768xbf16>
    %dot_general3A = arith.constant dense<0.000000e+00> : vector<8x32768xf32>
    %dot_general3A_6 = tpu.matmul %convert_element_type3A, %convert_element_type3A_5, %dot_general3A {dimension_numbers = #tpu.dot_dimension_numbers<[1], [0], [0], [1], [0, 0, 1, 1], [], []>, transpose_lhs_hint = false} : vector<8x64xbf16>, vector<64x32768xbf16>, vector<8x32768xf32> -> vector<8x32768xf32>
    %mul3A = arith.constant 2.000000e-02 : f32
    %mul3A_7 = vector.broadcast %mul3A : f32 to vector<8x32768xf32>
    %mul3A_8 = arith.mulf %dot_general3A_6, %mul3A_7 : vector<8x32768xf32>
    %slice3A = vector.extract_strided_slice %mul3A_8 {offsets = [0, 0], sizes = [1, 32768], strides = [1, 1]} : vector<8x32768xf32> to vector<1x32768xf32>
    %squeeze3A = vector.shape_cast %slice3A : vector<1x32768xf32> to vector<32768xf32>
    %convert_element_type3A_9 = arith.truncf %squeeze3A : vector<32768xf32> to vector<32768xbf16>
    %bitcast_convert_type3A = tpu.bitcast %convert_element_type3A_9 : vector<32768xbf16> -> vector<32768xi16>
    %convert_element_type3A_10 = arith.extui %bitcast_convert_type3A : vector<32768xi16> to vector<32768xi32>
    %slice3A_11 = vector.extract_strided_slice %mul3A_8 {offsets = [1, 0], sizes = [1, 32768], strides = [1, 1]} : vector<8x32768xf32> to vector<1x32768xf32>
    %squeeze3A_12 = vector.shape_cast %slice3A_11 : vector<1x32768xf32> to vector<32768xf32>
    %convert_element_type3A_13 = arith.truncf %squeeze3A_12 : vector<32768xf32> to vector<32768xbf16>
    %bitcast_convert_type3A_14 = tpu.bitcast %convert_element_type3A_13 : vector<32768xbf16> -> vector<32768xi16>
    %convert_element_type3A_15 = arith.extui %bitcast_convert_type3A_14 : vector<32768xi16> to vector<32768xi32>
    %shift_left3A = arith.constant 16 : i32
    %shift_left3A_16 = vector.broadcast %shift_left3A : i32 to vector<32768xi32>
    %shift_left3A_17 = arith.shli %convert_element_type3A_15, %shift_left3A_16 : vector<32768xi32>
    %or3A = arith.ori %shift_left3A_17, %convert_element_type3A_10 : vector<32768xi32>
    %bitcast_convert_type3A_18 = tpu.bitcast %or3A : vector<32768xi32> -> vector<32768xf32>
    %swap3A = arith.constant 0 : index
    %swap3A_19 = vector.load %arg3[%swap3A] : memref<32768xf32, #tpu.memory_space<vmem>>, vector<32768xf32>
    tpu.vector_store %arg3[%swap3A], %bitcast_convert_type3A_18 {strides = array<i32>} : memref<32768xf32, #tpu.memory_space<vmem>>, vector<32768xf32>,
    %slice3A_20 = vector.extract_strided_slice %mul3A_8 {offsets = [2, 0], sizes = [1, 32768], strides = [1, 1]} : vector<8x32768xf32> to vector<1x32768xf32>
    %squeeze3A_21 = vector.shape_cast %slice3A_20 : vector<1x32768xf32> to vector<32768xf32>
    %convert_element_type3A_22 = arith.truncf %squeeze3A_21 : vector<32768xf32> to vector<32768xbf16>
    %bitcast_convert_type3A_23 = tpu.bitcast %convert_element_type3A_22 : vector<32768xbf16> -> vector<32768xi16>
    %convert_element_type3A_24 = arith.extui %bitcast_convert_type3A_23 : vector<32768xi16> to vector<32768xi32>
    %slice3A_25 = vector.extract_strided_slice %mul3A_8 {offsets = [3, 0], sizes = [1, 32768], strides = [1, 1]} : vector<8x32768xf32> to vector<1x32768xf32>
    %squeeze3A_26 = vector.shape_cast %slice3A_25 : vector<1x32768xf32> to vector<32768xf32>
    %convert_element_type3A_27 = arith.truncf %squeeze3A_26 : vector<32768xf32> to vector<32768xbf16>
    %bitcast_convert_type3A_28 = tpu.bitcast %convert_element_type3A_27 : vector<32768xbf16> -> vector<32768xi16>
    %convert_element_type3A_29 = arith.extui %bitcast_convert_type3A_28 : vector<32768xi16> to vector<32768xi32>
    %shift_left3A_30 = arith.constant 16 : i32
    %shift_left3A_31 = vector.broadcast %shift_left3A_30 : i32 to vector<32768xi32>
    %shift_left3A_32 = arith.shli %convert_element_type3A_29, %shift_left3A_31 : vector<32768xi32>
    %or3A_33 = arith.ori %shift_left3A_32, %convert_element_type3A_24 : vector<32768xi32>
    %bitcast_convert_type3A_34 = tpu.bitcast %or3A_33 : vector<32768xi32> -> vector<32768xf32>
    %swap3A_35 = arith.constant 0 : index
    %swap3A_36 = vector.load %arg4[%swap3A_35] : memref<32768xf32, #tpu.memory_space<vmem>>, vector<32768xf32>
    tpu.vector_store %arg4[%swap3A_35], %bitcast_convert_type3A_34 {strides = array<i32>} : memref<32768xf32, #tpu.memory_space<vmem>>, vector<32768xf32>,
    %slice3A_37 = vector.extract_strided_slice %mul3A_8 {offsets = [4, 0], sizes = [1, 32768], strides = [1, 1]} : vector<8x32768xf32> to vector<1x32768xf32>
    %squeeze3A_38 = vector.shape_cast %slice3A_37 : vector<1x32768xf32> to vector<32768xf32>
    %convert_element_type3A_39 = arith.truncf %squeeze3A_38 : vector<32768xf32> to vector<32768xbf16>
    %bitcast_convert_type3A_40 = tpu.bitcast %convert_element_type3A_39 : vector<32768xbf16> -> vector<32768xi16>
    %convert_element_type3A_41 = arith.extui %bitcast_convert_type3A_40 : vector<32768xi16> to vector<32768xi32>
    %slice3A_42 = vector.extract_strided_slice %mul3A_8 {offsets = [5, 0], sizes = [1, 32768], strides = [1, 1]} : vector<8x32768xf32> to vector<1x32768xf32>
    %squeeze3A_43 = vector.shape_cast %slice3A_42 : vector<1x32768xf32> to vector<32768xf32>
    %convert_element_type3A_44 = arith.truncf %squeeze3A_43 : vector<32768xf32> to vector<32768xbf16>
    %bitcast_convert_type3A_45 = tpu.bitcast %convert_element_type3A_44 : vector<32768xbf16> -> vector<32768xi16>
    %convert_element_type3A_46 = arith.extui %bitcast_convert_type3A_45 : vector<32768xi16> to vector<32768xi32>
    %shift_left3A_47 = arith.constant 16 : i32
    %shift_left3A_48 = vector.broadcast %shift_left3A_47 : i32 to vector<32768xi32>
    %shift_left3A_49 = arith.shli %convert_element_type3A_46, %shift_left3A_48 : vector<32768xi32>
    %or3A_50 = arith.ori %shift_left3A_49, %convert_element_type3A_41 : vector<32768xi32>
    %bitcast_convert_type3A_51 = tpu.bitcast %or3A_50 : vector<32768xi32> -> vector<32768xf32>
    %swap3A_52 = arith.constant 0 : index
    %swap3A_53 = vector.load %arg5[%swap3A_52] : memref<32768xf32, #tpu.memory_space<vmem>>, vector<32768xf32>
    tpu.vector_store %arg5[%swap3A_52], %bitcast_convert_type3A_51 {strides = array<i32>} : memref<32768xf32, #tpu.memory_space<vmem>>, vector<32768xf32>,
    return
  }
  func.func @transform_0(%arg0: i32) -> (i32, i32) {
    %c0_i32 = arith.constant 0 : i32
    %c0_i32_0 = arith.constant 0 : i32
    %c0_i32_1 = arith.constant 0 : i32
    return %c0_i32, %c0_i32_0 : i32, i32
  }
  func.func @transform_1(%arg0: i32) -> (i32, i32) {
    %c0_i32 = arith.constant 0 : i32
    %c0_i32_0 = arith.constant 0 : i32
    return %c0_i32, %arg0 : i32, i32
  }
  func.func @transform_2(%arg0: i32) -> i32 {
    %c0_i32 = arith.constant 0 : i32
    return %arg0 : i32
  }
  func.func @transform_3(%arg0: i32) -> i32 {
    %c0_i32 = arith.constant 0 : i32
    return %arg0 : i32
  }
  func.func @transform_4(%arg0: i32) -> i32 {
    %c0_i32 = arith.constant 0 : i32
    return %arg0 : i32
  }
}

</mosaic_0001>

<sc_bundles>
// kernel: kernel.4.cloned.1.call-start
scs
__scs_entry_jumppad:
0x0: {  	(pc) =	sbr.rel $0x88, $3  }
0x1: {  	(tag) =	ssettag $0x0;
	lr =	simm.s32 $0x1  }
0x2: {  	[smem:$0x3F9D] =	sst lr;
	_ =	strace $0xD0000000  }
0x3: {  	_ = 	snop  }
0x4: {  	_ = 	snop  }
0x5: {  	_ = 	snop  }
0x6: {  	_ = 	snop  }
0x7: {  	_ = 	snop  }
__scs_overlays_trampoline_lowered:
0x8: {  	[smem:$0x3FAC] =	sst s0  }
0x9: {  	[smem:$0x3FAD] =	sst s1  }
0xa: {  	[smem:$0x3FAE] =	sst s2  }
0xb: {  	[smem:$0x3FAF] =	sst s3  }
0xc: {  	[smem:$0x3FB0] =	sst s4  }
0xd: {  	[smem:$0x3FB1] =	sst s5  }
0xe: {  	[smem:$0x3FB2] =	sst s6  }
0xf: {  	[smem:$0x3FB3] =	sst s7  }
0x10: {  	[smem:$0x3FB4] =	sst s8  }
0x11: {  	[smem:$0x3FB5] =	sst s9;
	s0 =	simm.s32 @!p0 $0x0  }
0x12: {  	s1 =	sld [smem:$0x3F9B];
	s0 =	simm.s32 @p0 $0x1  }
0x13: {  	[smem:$0x3FB6] =	sst s0;
	s0 =	simm.s32 @!p1 $0x0  }
0x14: {  	s2 =	sld [smem:$0x3F9A];
	s0 =	simm.s32 @p1 $0x1  }
0x15: {  	[smem:$0x3FB7] =	sst s0;
	s0 =	simm.s32 @!p2 $0x0  }
0x16: {  	s3 =	sld [smem:$0x3FDB];
	s0 =	simm.s32 @p2 $0x1  }
0x17: {  	s4 =	simm.s32 $0x1BF5;
	[smem:$0x3FB9] =	sst s0  }
0x18: {  	s0 =	sld [smem:$0x3F9C];
	_ =	swait.ge [sflag:s4], $0x0  }
0x19: {  	s7 =	sld [smem:$0x3F9D]  }
0x1a: {  	s8 =	sadd.s32 $0xFFFFE003, lr  }
0x1b: {  	s9 =	sadd.s32 $0xFFFFFEF7, lr;
	s5 =	simm.s32 $0xFFFFFFFF;
	p2 =	slt.u32 s8, $0xFFFFF086  }
0x1c: {  	p1 =	slt.u32 s9, $0xF7A;
	s5 =	simm.s32 @!p2 $0x0  }
0x1d: {  	s5 =	simm.s32 @p1 $0x1;
	p0 =	seq.s32 s7, s2  }
0x1e: {  	s7 =	smul.u32 @!p0 $0xF7A, s2;
	p2 =	seq.s32 @!p0 s5, $0x0  }
0x1f: {  	s9 =	smul.u32 $0xF7A, s1;
	s8 =	simm.s32 @!p0 $0x1BF5;
	p2 =	por !p2, p0  }
0x20: {  	[sflag:s8] =	ssyncset.s32 @!p0 $0xFFFFF086;
	s6 =	sadd.s32 @!p0 s3, s7;
	s7 =	simm.s32 @!p0 $0x108  }
0x21: {  	s3 =	sadd.s32 s3, s9;
	s6 =	sadd.s32 @!p0 $0x88, s6;
	s7 =	simm.s32 @p2 $0x1082  }
0x22: {  	[simem:s7], [sflag:s8] =	dma.local @!p0 [hbm:s6], $0xF7A  }
0x23: {  	s9 =	sor.u32 $0xD0000000, s2;
	s6 =	simm.s32 $0x108;
	_ =	swait.ge @!p0 [sflag:s8], $0x0  }
0x24: {  	s3 =	sadd.s32 $0x88, s3;
	s6 =	simm.s32 @!p1 $0x1082;
	[sflag:s4] =	ssyncset.s32 $0xFFFFF086  }
0x25: {  	[simem:s6], [sflag:s4] =	dma.local [hbm:s3], $0xF7A  }
0x26: {  	[smem:$0x3F9D] =	sst s1;
	(tag) =	ssettag s2;
	_ =	strace s9  }
0x27: {  	s1 =	sld [smem:$0x3FAD]  }
0x28: {  	s2 =	sld [smem:$0x3FAE]  }
0x29: {  	s4 =	sld [smem:$0x3FB0]  }
0x2a: {  	p0 =	seq.s32 s5, $0x0;
	s5 =	sld [smem:$0x3FB1]  }
0x2b: {  	s6 =	sld [smem:$0x3FB2]  }
0x2c: {  	s7 =	sld [smem:$0x3FB3]  }
0x2d: {  	s3 =	simm.s32 $0x108;
	s8 =	sld [smem:$0x3FB4]  }
0x2e: {  	s3 =	simm.s32 @!p0 $0x1082;
	s9 =	sld [smem:$0x3FB5]  }
0x2f: {  	lr =	sadd.s32 s0, s3;
	s0 =	sld [smem:$0x3FAC]  }
0x30: {  	s3 =	sld [smem:$0x3FAF]  }
0x31: {  	[smem:$0x3FB8] =	sst s10  }
0x32: {  	s10 =	sld [smem:$0x3FB6];
	_ =	sdelay $0x3  }
0x33: {  	p0 =	seq.s32 s10, $0x1;
	s10 =	sld [smem:$0x3FB8];
	_ =	sdelay $0x3  }
0x34: {  	[smem:$0x3FB8] =	sst s10  }
0x35: {  	s10 =	sld [smem:$0x3FB7];
	_ =	sdelay $0x3  }
0x36: {  	p1 =	seq.s32 s10, $0x1;
	s10 =	sld [smem:$0x3FB8];
	_ =	sdelay $0x3  }
0x37: {  	[smem:$0x3FB8] =	sst s10  }
0x38: {  	s10 =	sld [smem:$0x3FB9]  }
0x39: {  	_ = 	snop;
	(pc) =	sbr.ind lr, $3  }
0x3a: {  	_ = 	snop  }
0x3b: {  	_ = 	snop  }
0x3c: {  	p2 =	seq.s32 s10, $0x1;
	s10 =	sld [smem:$0x3FB8]  }
0x3d: {  	_ =	shalt  }
0x3e: {  	_ =	shalt  }
0x3f: {  	_ =	shalt  }
0x40: {  	_ =	shalt  }
0x41: {  	_ =	shalt  }
0x42: {  	_ =	shalt  }
0x43: {  	_ =	shalt  }
0x44: {  	_ =	shalt  }
0x45: {  	_ =	shalt  }
0x46: {  	_ =	shalt  }
0x47: {  	_ =	shalt  }
0x48: {  	_ =	shalt  }
0x49: {  	_ =	shalt  }
0x4a: {  	_ =	shalt  }
0x4b: {  	_ =	shalt  }
0x4c: {  	_ =	shalt  }
0x4d: {  	_ =	shalt  }
0x4e: {  	_ =	shalt  }
0x4f: {  	_ =	shalt  }
0x50: {  	_ =	shalt  }
0x51: {  	_ =	shalt  }
0x52: {  	_ =	shalt  }
0x53: {  	_ =	shalt  }
0x54: {  	_ =	shalt  }
0x55: {  	_ =	shalt  }
0x56: {  	_ =	shalt  }
0x57: {  	_ =	shalt  }
0x58: {  	_ =	shalt  }
0x59: {  	_ =	shalt  }
0x5a: {  	_ =	shalt  }
0x5b: {  	_ =	shalt  }
0x5c: {  	_ =	shalt  }
0x5d: {  	_ =	shalt  }
0x5e: {  	_ =	shalt  }
0x5f: {  	_ =	shalt  }
0x60: {  	_ =	shalt  }
0x61: {  	_ =	shalt  }
0x62: {  	_ =	shalt  }
0x63: {  	_ =	shalt  }
0x64: {  	_ =	shalt  }
0x65: {  	_ =	shalt  }
0x66: {  	_ =	shalt  }
0x67: {  	_ =	shalt  }
0x68: {  	_ =	shalt  }
0x69: {  	_ =	shalt  }
0x6a: {  	_ =	shalt  }
0x6b: {  	_ =	shalt  }
0x6c: {  	_ =	shalt  }
0x6d: {  	_ =	shalt  }
0x6e: {  	_ =	shalt  }
0x6f: {  	_ =	shalt  }
0x70: {  	_ =	shalt  }
0x71: {  	_ =	shalt  }
0x72: {  	_ =	shalt  }
0x73: {  	_ =	shalt  }
0x74: {  	_ =	shalt  }
0x75: {  	_ =	shalt  }
0x76: {  	_ =	shalt  }
0x77: {  	_ =	shalt  }
0x78: {  	_ =	shalt  }
0x79: {  	_ =	shalt  }
0x7a: {  	_ =	shalt  }
0x7b: {  	_ =	shalt  }
0x7c: {  	_ =	shalt  }
0x7d: {  	_ =	shalt  }
0x7e: {  	_ =	shalt  }
0x7f: {  	_ =	shalt  }
0x80: {  	_ =	shalt  }
0x81: {  	_ =	shalt  }
0x82: {  	_ =	shalt  }
0x83: {  	_ =	shalt  }
0x84: {  	_ =	shalt  }
0x85: {  	_ =	shalt  }
0x86: {  	_ =	shalt  }
0x87: {  	_ =	shalt  }
.Lfunc_end0:
.L_simem_size_0:
called_computation_lowered:
.L_overlay_start_0:
0x88: {  	s2 =	sld [smem:$0x3FD9]  }
0x89: {  	s3 =	sld [smem:$0x3FFE];
	_ =	sdelay $0x1  }
0x8a: {  	s1 =	srdreg.scid  }
0x8b: {  	s0 =	sand.u32 $0x1, s1  }
0x8c: {  	s17 =	sshll.u32 s0, $0xA;
	s2 =	sadd.s32 s3, s2  }
0x8d: {  	s2 =	sadd.s32 s2, s17  }
0x8e: {  	[smem:$0x3FC4] =	sst s2  }
0x8f: {  	_ = 	snop  }
0x90: {  	s2 =	sld [smem:$0x3FD0];
	(tm) =	ssettm $0x1  }
0x91: {  	s18 =	sld [smem:$0x3FFB];
	_ =	sdelay $0x3  }
0x92: {  	_ =	strace s18  }
0x93: {  	s3 =	sld [smem:$0x3FFC];
	_ =	sdelay $0x3  }
0x94: {  	_ =	strace s3  }
0x95: {  	s3 =	sld [smem:$0x3FFD];
	_ =	sdelay $0x3  }
0x96: {  	_ =	strace s3  }
0x97: {  	_ =	strace $0x8FFFFFFF  }
0x98: {  	s19 =	sld [smem:$0x3FDB];
	_ =	sdelay $0x1  }
0x99: {  	s4 =	simm.s32 $_scs_section_size  }
0x9a: {  	s5 =	simm.s32 $_size__tile_overlayer_lowered;
	s6 =	simm.s32 $_tile_overlayer_lowered  }
0x9b: {  	s22 =	simm.s32 $0x1BFF;
	s21 =	sshll.u32 s6, $0x1;
	s3 =	sadd.s32 s4, s19  }
0x9c: {  	s7 =	simm.s32 $0x0;
	s20 =	sshll.u32 s5, $0x1;
	s5 =	sadd.s32 s21, s3  }
0x9d: {  	[timem:s7], [sflag:s22] =	dma.local [hbm:s5], s20  }
0x9e: {  	_ =	swait.ge [sflag:s22], s20  }
0x9f: {  	s4 =	ssub.s32 $0x0, s20;
	[sflag:s22] =	ssyncset.done $0x0  }
0xa0: {  	[sflag:s22] =	ssyncadd.s32 s4;
	_ =	sdelay $0x1  }
0xa1: {  	s23 =	simm.s32 $0x1B8B  }
0xa2: {  	_ =	swait.ge [sflag:s23], $0x1  }
0xa3: {  	[sflag:s23] =	ssyncset.done $0x0  }
0xa4: {  	s25 =	simm.s32 $0x1B8E;
	s24 =	sld [smem:$0x3FFE];
	[sflag:s23] =	ssyncadd.s32 $0xFFFFFFFF  }
0xa5: {  	s26 =	simm.s32 $execute0_lowered;
	[smem:$0x3FD2] =	sst s25  }
0xa6: {  	s5 =	sshll.u32 s26, $0x1;
	_ =	strace $0x80000046;
	[dreg:$0x1] =	wrdreg $0xFFFFFFFF  }
0xa7: {  	s28 =	simm.s32 $_size_execute0_lowered;
	s3 =	sadd.s32 s3, s5;
	[dreg:$0x0] =	wrdreg $0x0  }
0xa8: {  	s5 =	sshll.u32 s28, $0x1;
	[dreg:$0x2] =	wrdreg s3  }
0xa9: {  	[dreg:$0x3] =	wrdreg s5  }
0xaa: {  	[dreg:$0x4] =	wrdreg $0xC0  }
0xab: {  	_ =	task [dreg:s7], $0x5FFFF  }
0xac: {  	[dreg:$0x1] =	wrdreg $0xFFFFFFFF  }
0xad: {  	[dreg:$0x0] =	wrdreg $0x60  }
0xae: {  	[dreg:$0x2] =	wrdreg s24  }
0xaf: {  	[dreg:$0x3] =	wrdreg s2  }
0xb0: {  	[dreg:$0x4] =	wrdreg $0x9  }
0xb1: {  	_ =	task.clear_ibuf [dreg:s7], $0x5FFFF;
	_ =	strace $0x90000046  }
0xb2: {  	s29 =	simm.s32 $0x9;
	_ =	strace $0x80000048  }
0xb3: {  	_ =	swait.ge [sflag:s29], $0x1  }
0xb4: {  	[sflag:s29] =	ssyncadd.s32 $0xFFFFFFFF  }
0xb5: {  	_ =	strace $0x90000048  }
0xb6: {  	_ =	sfence  }
0xb7: {  	s30 =	sld [smem:$0x0];
	_ =	sdelay $0x2  }
0xb8: {  	s31 =	sshll.u32 s1, $0xD;
	s1 =	sshrl.u32 s1, $0x2  }
0xb9: {  	s3 =	sand.u32 $0x4000, s31;
	s1 =	sadd.s32 s1, s30  }
0xba: {  	s0 =	sor.u32 s3, s0;
	s1 =	sshll.u32 s1, $0x11  }
0xbb: {  	s0 =	sor.u32 s1, s0  }
0xbc: {  	s0 =	sadd.s32 $0x8F2B, s0  }
0xbd: {  	[sflag:s0] =	ssyncadd.remote.s32 $0x1  }
0xbe: {  	_ =	sfence.sel $0xFFFF  }
0xbf: {  	[dreg:$0x0] =	wrdreg $0xFFFFFFFF;
	(pc) =	sbr.abs _section_cstart, $3  }
0xc0: {  	[dreg:$0x1] =	wrdreg $0xFFFFFFFF  }
0xc1: {  	_ =	task.clear_ibuf [dreg:s7], $0x2FFFF;
	_ =	strace $0x9FFFFFFF  }
0xc2: {  	(tm) =	ssettm $0x7FFFFFFF  }
0xc3: {  	_ =	shalt  }
tec
execute0_lowered:
.L_overlay_start_1:
0x0: {  	(tag) =	ssettag $0x1  }
0x1: {  	s0 =	srdreg.scid;
	s1 =	rddreg [dreg:$0x0]  }
0x2: {  	s3 =	stileid.u32;
	s9 =	rddreg [dreg:$0x1];
	s13 =	simm.s32 $0x2800  }
0x3: {  	s14 =	simm.s32 $0x80;
	s21 =	simm.s32 $0x100;
	s25 =	simm.s32 $0x180  }
0x4: {  	s30 =	simm.s32 $0x200;
	s12 =	simm.s32 $0x280;
	s18 =	simm.s32 $0x300  }
0x5: {  	s19 =	simm.s32 $0x2500;
	s20 =	simm.s32 $0x2580;
	s22 =	simm.s32 $0x2600  }
0x6: {  	s23 =	simm.s32 $0x380;
	s24 =	simm.s32 $0x2680;
	s28 =	simm.s32 $0x2780  }
0x7: {  	s29 =	simm.s32 $0x1;
	s31 =	simm.s32 $0x0;
	s0 =	sand.u32 $0x1, s0  }
0x8: {  	s4 =	sadd.s32 $0x1000, s1;
	s5 =	sadd.s32 $0x7600, s1;
	s6 =	sadd.s32 $0x26000, s1  }
0x9: {  	s7 =	sadd.s32 $0x44A00, s1;
	s2 =	sshll.u32 s0, $0x4;
	s0 =	ssub.s32 $0x2, s0  }
0xa: {  	s8 =	sor.u32 s3, s2;
	s2 =	simm.s32 $0x0;
	s11 =	sshrl.u32 s0, $0x1  }
0xb: {  	s3 =	smul.u32 $0x320, s8;
	[smem:$0x7FF] =	sst s2;
	s0 =	ssub.s32 s0, s11  }
0xc: {  	s26 =	sshll.u32 s8, $0x7;
	s11 =	simm.s32 $0x2;
	_ =	strace $0x80000047  }
0xd: {  	s9 =	sadd.s32 s9, s26;
	s26 =	simm.s32 $0x2700;
	s10 =	sadd.s32 s3, s1  }
0xe: {  	s3 =	sadd.s32 $0xE00, s1;
	s8 =	sadd.s32 $0x1200, s10;
	s10 =	smax.u32 s0, $0x1  }
.LBB2_1:
0xf: {  	[tilespmem:s2], [sflag:$0x2] =	stream.linear.gather [hbm4b:s8+s2], $0x1900, $0x38;
	[tilespmem:$0x2C00] =	vst v63  }
0x10: {  	_ =	swait.ge [sflag:s11], $0x1900  }
0x11: {  	[sflag:s11] =	ssyncset.done $0x0  }
0x12: {  	s0 =	simm.s32 $0x1900;
	[sflag:s11] =	ssyncadd.s32 $0xFFFFE700  }
0x13: {  	[tilespmem:s0], [sflag:$0x2] =	stream.linear.gather [hbm4b:s3+s2], $0x300, $0x38;
	[tilespmem:$0x2C00] =	vst v63  }
0x14: {  	_ =	swait.ge [sflag:s11], $0x300  }
0x15: {  	[sflag:s11] =	ssyncset.done $0x0  }
0x16: {  	[sflag:s11] =	ssyncadd.s32 $0xFFFFFD00  }
0x17: {  	[tilespmem:s13], [sflag:$0x2] =	stream.linear.gather [hbm4b:s4+s2], $0x400, $0x38;
	[tilespmem:$0x2C00] =	vst v63  }
0x18: {  	_ =	swait.ge [sflag:s11], $0x400  }
0x19: {  	[sflag:s11] =	ssyncset.done $0x0  }
0x1a: {  	s16 =	simm.s32 $0x1C00;
	[sflag:s11] =	ssyncadd.s32 $0xFFFFFC00  }
0x1b: {  	[tilespmem:s16], [sflag:$0x1] =	stream.indirect.gather [hbm4b:s5+s14], $0x1, s2, s14, $0xb8;
	[tilespmem:$0x2C00] =	vst v63  }
0x1c: {  	s17 =	simm.s32 $0x1C80  }
0x1d: {  	[tilespmem:s17], [sflag:$0x1] =	stream.indirect.gather [hbm4b:s6+s14], $0x1, s2, s14, $0xb8;
	[tilespmem:$0x2C00] =	vst v63  }
0x1e: {  	s1 =	simm.s32 $0x1D00  }
0x1f: {  	[tilespmem:s1], [sflag:$0x1] =	stream.indirect.gather [hbm4b:s7+s14], $0x1, s2, s14, $0xb8;
	[tilespmem:$0x2C00] =	vst v63  }
0x20: {  	s15 =	simm.s32 $0x1D80  }
0x21: {  	[tilespmem:s15], [sflag:$0x1] =	stream.indirect.gather [hbm4b:s5+s14], $0x1, s14, s14, $0xb8;
	[tilespmem:$0x2C00] =	vst v63  }
0x22: {  	s16 =	simm.s32 $0x1E00  }
0x23: {  	[tilespmem:s16], [sflag:$0x1] =	stream.indirect.gather [hbm4b:s6+s14], $0x1, s14, s14, $0xb8;
	[tilespmem:$0x2C00] =	vst v63  }
0x24: {  	s17 =	simm.s32 $0x1E80  }
0x25: {  	[tilespmem:s17], [sflag:$0x1] =	stream.indirect.gather [hbm4b:s7+s14], $0x1, s14, s14, $0xb8;
	[tilespmem:$0x2C00] =	vst v63  }
0x26: {  	s1 =	simm.s32 $0x1F00  }
0x27: {  	[tilespmem:s1], [sflag:$0x1] =	stream.indirect.gather [hbm4b:s5+s14], $0x1, s21, s14, $0xb8;
	[tilespmem:$0x2C00] =	vst v63  }
0x28: {  	s15 =	simm.s32 $0x1F80  }
0x29: {  	[tilespmem:s15], [sflag:$0x1] =	stream.indirect.gather [hbm4b:s6+s14], $0x1, s21, s14, $0xb8;
	[tilespmem:$0x2C00] =	vst v63  }
0x2a: {  	s16 =	simm.s32 $0x2000  }
0x2b: {  	[tilespmem:s16], [sflag:$0x1] =	stream.indirect.gather [hbm4b:s7+s14], $0x1, s21, s14, $0xb8;
	[tilespmem:$0x2C00] =	vst v63  }
0x2c: {  	s17 =	simm.s32 $0x2080  }
0x2d: {  	[tilespmem:s17], [sflag:$0x1] =	stream.indirect.gather [hbm4b:s5+s14], $0x1, s25, s14, $0xb8;
	[tilespmem:$0x2C00] =	vst v63  }
0x2e: {  	s1 =	simm.s32 $0x2100  }
0x2f: {  	[tilespmem:s1], [sflag:$0x1] =	stream.indirect.gather [hbm4b:s6+s14], $0x1, s25, s14, $0xb8;
	[tilespmem:$0x2C00] =	vst v63  }
0x30: {  	s15 =	simm.s32 $0x2180  }
0x31: {  	[tilespmem:s15], [sflag:$0x1] =	stream.indirect.gather [hbm4b:s7+s14], $0x1, s25, s14, $0xb8;
	[tilespmem:$0x2C00] =	vst v63  }
0x32: {  	s16 =	simm.s32 $0x2200  }
0x33: {  	[tilespmem:s16], [sflag:$0x1] =	stream.indirect.gather [hbm4b:s5+s14], $0x1, s30, s14, $0xb8;
	[tilespmem:$0x2C00] =	vst v63  }
0x34: {  	s17 =	simm.s32 $0x2280  }
0x35: {  	[tilespmem:s17], [sflag:$0x1] =	stream.indirect.gather [hbm4b:s6+s14], $0x1, s30, s14, $0xb8;
	[tilespmem:$0x2C00] =	vst v63  }
0x36: {  	s1 =	simm.s32 $0x2300  }
0x37: {  	[tilespmem:s1], [sflag:$0x1] =	stream.indirect.gather [hbm4b:s7+s14], $0x1, s30, s14, $0xb8;
	[tilespmem:$0x2C00] =	vst v63  }
0x38: {  	s15 =	simm.s32 $0x2380  }
0x39: {  	[tilespmem:s15], [sflag:$0x1] =	stream.indirect.gather [hbm4b:s5+s14], $0x1, s12, s14, $0xb8;
	[tilespmem:$0x2C00] =	vst v63  }
0x3a: {  	s16 =	simm.s32 $0x2400  }
0x3b: {  	[tilespmem:s16], [sflag:$0x1] =	stream.indirect.gather [hbm4b:s6+s14], $0x1, s12, s14, $0xb8;
	[tilespmem:$0x2C00] =	vst v63  }
0x3c: {  	s17 =	simm.s32 $0x2480  }
0x3d: {  	[tilespmem:s17], [sflag:$0x1] =	stream.indirect.gather [hbm4b:s7+s14], $0x1, s12, s14, $0xb8;
	[tilespmem:$0x2C00] =	vst v63  }
0x3e: {  	_ = 	snop  }
0x3f: {  	[tilespmem:s19], [sflag:$0x1] =	stream.indirect.gather [hbm4b:s5+s14], $0x1, s18, s14, $0xb8;
	[tilespmem:$0x2C00] =	vst v63  }
0x40: {  	_ = 	snop  }
0x41: {  	[tilespmem:s20], [sflag:$0x1] =	stream.indirect.gather [hbm4b:s6+s14], $0x1, s18, s14, $0xb8;
	[tilespmem:$0x2C00] =	vst v63  }
0x42: {  	_ = 	snop  }
0x43: {  	[tilespmem:s22], [sflag:$0x1] =	stream.indirect.gather [hbm4b:s7+s14], $0x1, s18, s14, $0xb8;
	[tilespmem:$0x2C00] =	vst v63  }
0x44: {  	_ = 	snop  }
0x45: {  	[tilespmem:s24], [sflag:$0x1] =	stream.indirect.gather [hbm4b:s5+s14], $0x1, s23, s14, $0xb8;
	[tilespmem:$0x2C00] =	vst v63  }
0x46: {  	_ = 	snop  }
0x47: {  	[tilespmem:s26], [sflag:$0x1] =	stream.indirect.gather [hbm4b:s6+s14], $0x1, s23, s14, $0xb8;
	[tilespmem:$0x2C00] =	vst v63  }
0x48: {  	s0 =	simm.s32 $0x0;
	s1 =	simm.s32 $0x400  }
0x49: {  	[tilespmem:s28], [sflag:$0x1] =	stream.indirect.gather [hbm4b:s7+s14], $0x1, s23, s14, $0xb8;
	[tilespmem:$0x2C00] =	vst v63  }
.LBB2_2:
0x4a: {  	_ =	swait.ge [sflag:s29], $0x80  }
0x4b: {  	[sflag:s29] =	ssyncset.done $0x0  }
0x4c: {  	[sflag:s29] =	ssyncadd.s32 $0xFFFFFF80  }
0x4d: {  	_ =	swait.ge [sflag:s29], $0x80  }
0x4e: {  	[sflag:s29] =	ssyncset.done $0x0  }
0x4f: {  	[sflag:s29] =	ssyncadd.s32 $0xFFFFFF80  }
0x50: {  	_ =	swait.ge [sflag:s29], $0x80  }
0x51: {  	s15 =	sand.u32 $0x7, s0;
	[sflag:s29] =	ssyncset.done $0x0  }
0x52: {  	s15 =	smul.u32 $0x600, s15;
	[sflag:s29] =	ssyncadd.s32 $0xFFFFFF80  }
0x53: {  	v0 =	vld [tilespmem:$0x1900]  }
0x54: {  	s15 =	sshrl.u32 s15, $0x2  }
0x55: {  	v1 =	vld [tilespmem:s15+$0x1C00];
	_ =	sdelay $0x4  }
0x56: {  	v2 =	vshll.u32 v1, $0x10  }
0x57: {  	[tilespmem:v0+s13+$0x0] =	vst.idx.add.f32.msk $0xffff, v2  }
0x58: {  	v0 =	vld [tilespmem:$0x1980];
	_ =	sdelay $0x6  }
0x59: {  	v1 =	vand.u32 $0xFFFF0000, v1  }
0x5a: {  	[tilespmem:v0+s13+$0x0] =	vst.idx.add.f32.msk $0xffff, v1  }
0x5b: {  	v0 =	vld [tilespmem:$0x1910];
	_ =	sdelay $0x1  }
0x5c: {  	v1 =	vld [tilespmem:s15+$0x1C10];
	_ =	sdelay $0x4  }
0x5d: {  	v41 =	vshll.u32 v1, $0x10  }
0x5e: {  	[tilespmem:v0+s13+$0x0] =	vst.idx.add.f32.msk $0xffff, v41  }
0x5f: {  	v0 =	vld [tilespmem:$0x1990];
	_ =	sdelay $0x6  }
0x60: {  	v1 =	vand.u32 $0xFFFF0000, v1  }
0x61: {  	[tilespmem:v0+s13+$0x0] =	vst.idx.add.f32.msk $0xffff, v1  }
0x62: {  	v0 =	vld [tilespmem:$0x1920];
	_ =	sdelay $0x1  }
0x63: {  	v1 =	vld [tilespmem:s15+$0x1C20];
	_ =	sdelay $0x4  }
0x64: {  	v42 =	vshll.u32 v1, $0x10  }
0x65: {  	[tilespmem:v0+s13+$0x0] =	vst.idx.add.f32.msk $0xffff, v42  }
0x66: {  	v0 =	vld [tilespmem:$0x19A0];
	_ =	sdelay $0x6  }
0x67: {  	v1 =	vand.u32 $0xFFFF0000, v1  }
0x68: {  	[tilespmem:v0+s13+$0x0] =	vst.idx.add.f32.msk $0xffff, v1  }
0x69: {  	v0 =	vld [tilespmem:$0x1930];
	_ =	sdelay $0x1  }
0x6a: {  	v1 =	vld [tilespmem:s15+$0x1C30];
	_ =	sdelay $0x4  }
0x6b: {  	v43 =	vshll.u32 v1, $0x10  }
0x6c: {  	[tilespmem:v0+s13+$0x0] =	vst.idx.add.f32.msk $0xffff, v43  }
0x6d: {  	v0 =	vld [tilespmem:$0x19B0];
	_ =	sdelay $0x6  }
0x6e: {  	v1 =	vand.u32 $0xFFFF0000, v1  }
0x6f: {  	[tilespmem:v0+s13+$0x0] =	vst.idx.add.f32.msk $0xffff, v1  }
0x70: {  	v0 =	vld [tilespmem:$0x1940];
	_ =	sdelay $0x1  }
0x71: {  	v1 =	vld [tilespmem:s15+$0x1C40];
	_ =	sdelay $0x4  }
0x72: {  	v44 =	vshll.u32 v1, $0x10  }
0x73: {  	[tilespmem:v0+s13+$0x0] =	vst.idx.add.f32.msk $0xffff, v44  }
0x74: {  	v0 =	vld [tilespmem:$0x19C0];
	_ =	sdelay $0x6  }
0x75: {  	v1 =	vand.u32 $0xFFFF0000, v1  }
0x76: {  	[tilespmem:v0+s13+$0x0] =	vst.idx.add.f32.msk $0xffff, v1  }
0x77: {  	v0 =	vld [tilespmem:$0x1950];
	_ =	sdelay $0x1  }
0x78: {  	v1 =	vld [tilespmem:s15+$0x1C50];
	_ =	sdelay $0x4  }
0x79: {  	v45 =	vshll.u32 v1, $0x10  }
0x7a: {  	[tilespmem:v0+s13+$0x0] =	vst.idx.add.f32.msk $0xffff, v45  }
0x7b: {  	v0 =	vld [tilespmem:$0x19D0];
	_ =	sdelay $0x6  }
0x7c: {  	v1 =	vand.u32 $0xFFFF0000, v1  }
0x7d: {  	[tilespmem:v0+s13+$0x0] =	vst.idx.add.f32.msk $0xffff, v1  }
0x7e: {  	v0 =	vld [tilespmem:$0x1960];
	_ =	sdelay $0x1  }
0x7f: {  	v1 =	vld [tilespmem:s15+$0x1C60];
	_ =	sdelay $0x4  }
0x80: {  	v46 =	vshll.u32 v1, $0x10  }
0x81: {  	[tilespmem:v0+s13+$0x0] =	vst.idx.add.f32.msk $0xffff, v46  }
0x82: {  	v0 =	vld [tilespmem:$0x19E0];
	_ =	sdelay $0x6  }
0x83: {  	v1 =	vand.u32 $0xFFFF0000, v1  }
0x84: {  	[tilespmem:v0+s13+$0x0] =	vst.idx.add.f32.msk $0xffff, v1  }
0x85: {  	v0 =	vld [tilespmem:$0x1970];
	_ =	sdelay $0x1  }
0x86: {  	v1 =	vld [tilespmem:s15+$0x1C70];
	_ =	sdelay $0x4  }
0x87: {  	v47 =	vshll.u32 v1, $0x10  }
0x88: {  	[tilespmem:v0+s13+$0x0] =	vst.idx.add.f32.msk $0xffff, v47  }
0x89: {  	v0 =	vld [tilespmem:$0x19F0];
	_ =	sdelay $0x6  }
0x8a: {  	v1 =	vand.u32 $0xFFFF0000, v1  }
0x8b: {  	[tilespmem:v0+s13+$0x0] =	vst.idx.add.f32.msk $0xffff, v1  }
0x8c: {  	v0 =	vld [tilespmem:$0x1A00];
	_ =	sdelay $0x1  }
0x8d: {  	v1 =	vld [tilespmem:s15+$0x1C80];
	_ =	sdelay $0x4  }
0x8e: {  	v48 =	vshll.u32 v1, $0x10  }
0x8f: {  	[tilespmem:v0+s13+$0x0] =	vst.idx.add.f32.msk $0xffff, v48  }
0x90: {  	v0 =	vld [tilespmem:$0x1A80];
	_ =	sdelay $0x6  }
0x91: {  	v1 =	vand.u32 $0xFFFF0000, v1  }
0x92: {  	[tilespmem:v0+s13+$0x0] =	vst.idx.add.f32.msk $0xffff, v1  }
0x93: {  	v0 =	vld [tilespmem:$0x1A10];
	_ =	sdelay $0x1  }
0x94: {  	v1 =	vld [tilespmem:s15+$0x1C90];
	_ =	sdelay $0x4  }
0x95: {  	v49 =	vshll.u32 v1, $0x10  }
0x96: {  	[tilespmem:v0+s13+$0x0] =	vst.idx.add.f32.msk $0xffff, v49  }
0x97: {  	v0 =	vld [tilespmem:$0x1A90];
	_ =	sdelay $0x6  }
0x98: {  	v1 =	vand.u32 $0xFFFF0000, v1  }
0x99: {  	[tilespmem:v0+s13+$0x0] =	vst.idx.add.f32.msk $0xffff, v1  }
0x9a: {  	v0 =	vld [tilespmem:$0x1A20];
	_ =	sdelay $0x1  }
0x9b: {  	v1 =	vld [tilespmem:s15+$0x1CA0];
	_ =	sdelay $0x4  }
0x9c: {  	v50 =	vshll.u32 v1, $0x10  }
0x9d: {  	[tilespmem:v0+s13+$0x0] =	vst.idx.add.f32.msk $0xffff, v50  }
0x9e: {  	v0 =	vld [tilespmem:$0x1AA0];
	_ =	sdelay $0x6  }
0x9f: {  	v1 =	vand.u32 $0xFFFF0000, v1  }
0xa0: {  	[tilespmem:v0+s13+$0x0] =	vst.idx.add.f32.msk $0xffff, v1  }
0xa1: {  	v0 =	vld [tilespmem:$0x1A30];
	_ =	sdelay $0x1  }
0xa2: {  	v1 =	vld [tilespmem:s15+$0x1CB0];
	_ =	sdelay $0x4  }
0xa3: {  	v51 =	vshll.u32 v1, $0x10  }
0xa4: {  	[tilespmem:v0+s13+$0x0] =	vst.idx.add.f32.msk $0xffff, v51  }
0xa5: {  	v0 =	vld [tilespmem:$0x1AB0];
	_ =	sdelay $0x6  }
0xa6: {  	v1 =	vand.u32 $0xFFFF0000, v1  }
0xa7: {  	[tilespmem:v0+s13+$0x0] =	vst.idx.add.f32.msk $0xffff, v1  }
0xa8: {  	v0 =	vld [tilespmem:$0x1A40];
	_ =	sdelay $0x1  }
0xa9: {  	v1 =	vld [tilespmem:s15+$0x1CC0];
	_ =	sdelay $0x4  }
0xaa: {  	v52 =	vshll.u32 v1, $0x10  }
0xab: {  	[tilespmem:v0+s13+$0x0] =	vst.idx.add.f32.msk $0xffff, v52  }
0xac: {  	v0 =	vld [tilespmem:$0x1AC0];
	_ =	sdelay $0x6  }
0xad: {  	v1 =	vand.u32 $0xFFFF0000, v1  }
0xae: {  	[tilespmem:v0+s13+$0x0] =	vst.idx.add.f32.msk $0xffff, v1  }
0xaf: {  	v0 =	vld [tilespmem:$0x1A50];
	_ =	sdelay $0x1  }
0xb0: {  	v1 =	vld [tilespmem:s15+$0x1CD0];
	_ =	sdelay $0x4  }
0xb1: {  	v53 =	vshll.u32 v1, $0x10  }
0xb2: {  	[tilespmem:v0+s13+$0x0] =	vst.idx.add.f32.msk $0xffff, v53  }
0xb3: {  	v0 =	vld [tilespmem:$0x1AD0];
	_ =	sdelay $0x6  }
0xb4: {  	v1 =	vand.u32 $0xFFFF0000, v1  }
0xb5: {  	[tilespmem:v0+s13+$0x0] =	vst.idx.add.f32.msk $0xffff, v1  }
0xb6: {  	v0 =	vld [tilespmem:$0x1A60];
	_ =	sdelay $0x1  }
0xb7: {  	v1 =	vld [tilespmem:s15+$0x1CE0];
	_ =	sdelay $0x4  }
0xb8: {  	v54 =	vshll.u32 v1, $0x10  }
0xb9: {  	[tilespmem:v0+s13+$0x0] =	vst.idx.add.f32.msk $0xffff, v54  }
0xba: {  	v0 =	vld [tilespmem:$0x1AE0];
	_ =	sdelay $0x6  }
0xbb: {  	v1 =	vand.u32 $0xFFFF0000, v1  }
0xbc: {  	[tilespmem:v0+s13+$0x0] =	vst.idx.add.f32.msk $0xffff, v1  }
0xbd: {  	v0 =	vld [tilespmem:$0x1A70];
	_ =	sdelay $0x1  }
0xbe: {  	v1 =	vld [tilespmem:s15+$0x1CF0];
	_ =	sdelay $0x4  }
0xbf: {  	v55 =	vshll.u32 v1, $0x10  }
0xc0: {  	[tilespmem:v0+s13+$0x0] =	vst.idx.add.f32.msk $0xffff, v55  }
0xc1: {  	v0 =	vld [tilespmem:$0x1AF0];
	_ =	sdelay $0x6  }
0xc2: {  	v1 =	vand.u32 $0xFFFF0000, v1  }
0xc3: {  	[tilespmem:v0+s13+$0x0] =	vst.idx.add.f32.msk $0xffff, v1  }
0xc4: {  	v0 =	vld [tilespmem:$0x1B00];
	_ =	sdelay $0x1  }
0xc5: {  	v1 =	vld [tilespmem:s15+$0x1D00];
	_ =	sdelay $0x4  }
0xc6: {  	v56 =	vshll.u32 v1, $0x10  }
0xc7: {  	[tilespmem:v0+s13+$0x0] =	vst.idx.add.f32.msk $0xffff, v56  }
0xc8: {  	v0 =	vld [tilespmem:$0x1B80];
	_ =	sdelay $0x6  }
0xc9: {  	v1 =	vand.u32 $0xFFFF0000, v1  }
0xca: {  	[tilespmem:v0+s13+$0x0] =	vst.idx.add.f32.msk $0xffff, v1  }
0xcb: {  	v0 =	vld [tilespmem:$0x1B10];
	_ =	sdelay $0x1  }
0xcc: {  	v1 =	vld [tilespmem:s15+$0x1D10];
	_ =	sdelay $0x4  }
0xcd: {  	v57 =	vshll.u32 v1, $0x10  }
0xce: {  	[tilespmem:v0+s13+$0x0] =	vst.idx.add.f32.msk $0xffff, v57  }
0xcf: {  	v0 =	vld [tilespmem:$0x1B90];
	_ =	sdelay $0x6  }
0xd0: {  	v1 =	vand.u32 $0xFFFF0000, v1  }
0xd1: {  	[tilespmem:v0+s13+$0x0] =	vst.idx.add.f32.msk $0xffff, v1  }
0xd2: {  	v0 =	vld [tilespmem:$0x1B20];
	_ =	sdelay $0x1  }
0xd3: {  	v1 =	vld [tilespmem:s15+$0x1D20];
	_ =	sdelay $0x4  }
0xd4: {  	v58 =	vshll.u32 v1, $0x10  }
0xd5: {  	[tilespmem:v0+s13+$0x0] =	vst.idx.add.f32.msk $0xffff, v58  }
0xd6: {  	v0 =	vld [tilespmem:$0x1BA0];
	_ =	sdelay $0x6  }
0xd7: {  	v1 =	vand.u32 $0xFFFF0000, v1  }
0xd8: {  	[tilespmem:v0+s13+$0x0] =	vst.idx.add.f32.msk $0xffff, v1  }
0xd9: {  	v0 =	vld [tilespmem:$0x1B30];
	_ =	sdelay $0x1  }
0xda: {  	v1 =	vld [tilespmem:s15+$0x1D30];
	_ =	sdelay $0x4  }
0xdb: {  	v59 =	vshll.u32 v1, $0x10  }
0xdc: {  	[tilespmem:v0+s13+$0x0] =	vst.idx.add.f32.msk $0xffff, v59  }
0xdd: {  	v0 =	vld [tilespmem:$0x1BB0];
	_ =	sdelay $0x6  }
0xde: {  	v1 =	vand.u32 $0xFFFF0000, v1  }
0xdf: {  	[tilespmem:v0+s13+$0x0] =	vst.idx.add.f32.msk $0xffff, v1  }
0xe0: {  	v0 =	vld [tilespmem:$0x1B40];
	_ =	sdelay $0x1  }
0xe1: {  	v1 =	vld [tilespmem:s15+$0x1D40];
	_ =	sdelay $0x4  }
0xe2: {  	v60 =	vshll.u32 v1, $0x10  }
0xe3: {  	[tilespmem:v0+s13+$0x0] =	vst.idx.add.f32.msk $0xffff, v60  }
0xe4: {  	v0 =	vld [tilespmem:$0x1BC0];
	_ =	sdelay $0x6  }
0xe5: {  	v1 =	vand.u32 $0xFFFF0000, v1  }
0xe6: {  	[tilespmem:v0+s13+$0x0] =	vst.idx.add.f32.msk $0xffff, v1  }
0xe7: {  	v0 =	vld [tilespmem:$0x1B50];
	_ =	sdelay $0x1  }
0xe8: {  	v1 =	vld [tilespmem:s15+$0x1D50];
	_ =	sdelay $0x4  }
0xe9: {  	v61 =	vshll.u32 v1, $0x10  }
0xea: {  	[tilespmem:v0+s13+$0x0] =	vst.idx.add.f32.msk $0xffff, v61  }
0xeb: {  	v0 =	vld [tilespmem:$0x1BD0];
	_ =	sdelay $0x6  }
0xec: {  	v1 =	vand.u32 $0xFFFF0000, v1  }
0xed: {  	[tilespmem:v0+s13+$0x0] =	vst.idx.add.f32.msk $0xffff, v1  }
0xee: {  	v0 =	vld [tilespmem:$0x1B60];
	_ =	sdelay $0x1  }
0xef: {  	v1 =	vld [tilespmem:s15+$0x1D60];
	_ =	sdelay $0x4  }
0xf0: {  	v62 =	vshll.u32 v1, $0x10  }
0xf1: {  	[tilespmem:v0+s13+$0x0] =	vst.idx.add.f32.msk $0xffff, v62  }
0xf2: {  	v0 =	vld [tilespmem:$0x1BE0];
	_ =	sdelay $0x6  }
0xf3: {  	v1 =	vand.u32 $0xFFFF0000, v1  }
0xf4: {  	[tilespmem:v0+s13+$0x0] =	vst.idx.add.f32.msk $0xffff, v1  }
0xf5: {  	v0 =	vld [tilespmem:$0x1B70];
	_ =	sdelay $0x1  }
0xf6: {  	v1 =	vld [tilespmem:s15+$0x1D70];
	_ =	sdelay $0x4  }
0xf7: {  	v63 =	vshll.u32 v1, $0x10  }
0xf8: {  	[tilespmem:v0+s13+$0x0] =	vst.idx.add.f32.msk $0xffff, v63  }
0xf9: {  	v0 =	vld [tilespmem:$0x1BF0];
	_ =	sdelay $0x6  }
0xfa: {  	p0 =	sgt.u32 s0, $0x29;
	v1 =	vand.u32 $0xFFFF0000, v1  }
0xfb: {  	s17 =	simm.s32 @!p0 $0x80;
	s16 =	sadd.s32 $0x1C00, s15;
	[tilespmem:v0+s13+$0x0] =	vst.idx.add.f32.msk $0xffff, v1  }
0xfc: {  	[tilespmem:s16], [sflag:$0x1] =	stream.indirect.gather @!p0 [hbm4b:s5+s17], $0x1, s1, s17, $0xb8;
	[tilespmem:$0x2C00] =	vst v63  }
0xfd: {  	s16 =	sadd.s32 $0x1C80, s15  }
0xfe: {  	[tilespmem:s16], [sflag:$0x1] =	stream.indirect.gather @!p0 [hbm4b:s6+s17], $0x1, s1, s17, $0xb8;
	[tilespmem:$0x2C00] =	vst v63  }
0xff: {  	s0 =	sadd.s32 $0x1, s0;
	s15 =	sadd.s32 $0x1D00, s15  }
0x100: {  	[tilespmem:s15], [sflag:$0x1] =	stream.indirect.gather @!p0 [hbm4b:s7+s17], $0x1, s1, s17, $0xb8;
	[tilespmem:$0x2C00] =	vst v63  }
0x101: {  	p0 =	sne.s32 s0, $0x32  }
.Ltmp0:
0x102: {  	_ = 	snop;
	(pc) =	sbr.rel @p0 .LBB2_2-.Ltmp0, $2  }
0x103: {  	_ =	sdelay $0x2  }
0x104: {  	s1 =	sadd.s32 $0x80, s1  }
0x105: {  	s31 =	sadd.s32 $0x1, s31  }
0x106: {  	p0 =	sne.s32 s31, s10  }
.Ltmp1:
0x107: {  	_ = 	snop;
	(pc) =	sbr.rel @p0 .LBB2_1-.Ltmp1, $4  }
0x108: {  	[hbm4b:s9+s2] =	stream.linear.scatter [tilespmem:s13], [sflag:$0x2], $0x400, $0x38;
	[tilespmem:$0x2C00] =	vst v63  }
0x109: {  	_ =	swait.ge [sflag:s11], $0x400  }
0x10a: {  	[sflag:s11] =	ssyncset.done $0x0  }
0x10b: {  	[sflag:s11] =	ssyncadd.s32 $0xFFFFFC00  }
0x10c: {  	_ =	sfence.sel $0x180000  }
0x10d: {  	[bflag:$0x0] =	sbarrier.arrive $0xFFFF  }
0x10e: {  	_ =	strace $0x90000047  }
0x10f: {  	s0 =	stileid.u32;
	[bflag:$0x2] =	sbarrier.arrive $0xFFFF  }
0x110: {  	p0 =	sne.s32 s0, $0x0;
	s0 =	rddreg [dreg:$0x2]  }
0x111: {  	s0 =	sadd.s32 @!p0 $0x100000, s0  }
0x112: {  	[sflag:s0] =	ssyncadd.tile.s32 @!p0 $0x1;
	_ =	shalt  }
.Lfunc_end2:
_tile_overlayer_lowered:
.L_overlay_start_2:
0x113: {  	(tag) =	ssettag $0x2  }
0x114: {  	s0 =	rddreg [dreg:$0x0];
	s2 =	stileid.u32  }
0x115: {  	s1 =	rddreg [dreg:$0x1];
	p0 =	sne.s32 s2, $0x0  }
0x116: {  	s3 =	rddreg [dreg:$0x2];
	[bflag:$0x3] =	sbarrier.arrive $0xFFFF;
	s2 =	simm.s32 @!p0 $0x1C02  }
0x117: {  	[timem:s3], [sflag:s2] =	dma.local @!p0 [hbm:s0], s1  }
0x118: {  	s0 =	simm.s32 @!p0 $0x2  }
0x119: {  	_ =	swait.ge @!p0 [sflag:s0], s1  }
0x11a: {  	s1 =	ssub.s32 @!p0 $0x0, s1;
	[sflag:s0] =	ssyncset.done @!p0 $0x0  }
0x11b: {  	[sflag:s0] =	ssyncadd.s32 @!p0 s1  }
0x11c: {  	[bflag:$0x3] =	sbarrier.arrive $0xFFFF  }
0x11d: {  	_ =	shalt  }

</sc_bundles>
